<compile_context>
chip_gen: v7x
topology: tpu7x:2x2x1
jax: 0.10.2.dev20260603
libtpu: 0.0.44.dev20260713+nightly
codegen_flags: <defaults>
</compile_context>

<pallas_src>
import functools

import jax
import jax.numpy as jnp
from jax import lax
from jax.experimental import pallas as pl
from jax.experimental.pallas import tpu as pltpu
from jax.experimental.pallas import tpu_sc as plsc

D = 192
NHEADS = 12
DEPTH = 3
PATCH = 14
SCALE = 2
GROUP_SIZE = 32
RADIUS = 0.1


def _ln(x, g, b, eps):
    m = x.mean(-1, keepdims=True)
    v = x.var(-1, keepdims=True)
    return (x - m) / jnp.sqrt(v + eps) * g + b


def _inorm(x):
    m = x.mean(axis=(1, 2), keepdims=True)
    v = x.var(axis=(1, 2), keepdims=True)
    return (x - m) / jnp.sqrt(v + 1e-5)


def _gelu(x):
    return jax.nn.gelu(x, approximate=False)


def _fps_body(px_ref, py_ref, pz_ref, oi_ref, ox_ref, oy_ref, oz_ref, *,
              n_samples):
    x = px_ref[...]
    y = py_ref[...]
    z = pz_ref[...]
    B, N = x.shape
    M = n_samples
    lane = jax.lax.broadcasted_iota(jnp.int32, (B, N), 1)
    col_m = jax.lax.broadcasted_iota(jnp.int32, (B, M), 1)
    lx = x[:, 0:1]
    ly = y[:, 0:1]
    lz = z[:, 0:1]
    dists0 = jnp.full((B, N), 1e10, jnp.float32)
    buf0 = jnp.zeros((B, M), jnp.int32)
    col0 = col_m == 0
    bx0 = jnp.where(col0, lx, 0.0)
    by0 = jnp.where(col0, ly, 0.0)
    bz0 = jnp.where(col0, lz, 0.0)

    def body(i, carry):
        dists, lx, ly, lz, buf, bx, by, bz = carry
        dx = x - lx
        dy = y - ly
        dz = z - lz
        d = dx * dx + dy * dy + dz * dz
        dists = jnp.minimum(dists, d)
        maxv = jnp.max(dists, axis=1, keepdims=True)
        cand = jnp.where(dists == maxv, lane, N)
        nxt = jnp.min(cand, axis=1, keepdims=True)
        onehot = lane == nxt
        zero = jnp.zeros((), jnp.float32)
        lx = jnp.sum(jnp.where(onehot, x, zero), axis=1, keepdims=True)
        ly = jnp.sum(jnp.where(onehot, y, zero), axis=1, keepdims=True)
        lz = jnp.sum(jnp.where(onehot, z, zero), axis=1, keepdims=True)
        coli = col_m == i
        buf = jnp.where(coli, nxt, buf)
        bx = jnp.where(coli, lx, bx)
        by = jnp.where(coli, ly, by)
        bz = jnp.where(coli, lz, bz)
        return (dists, lx, ly, lz, buf, bx, by, bz)

    carry = jax.lax.fori_loop(
        1, M, body, (dists0, lx, ly, lz, buf0, bx0, by0, bz0))
    oi_ref[...] = carry[4]
    ox_ref[...] = carry[5]
    oy_ref[...] = carry[6]
    oz_ref[...] = carry[7]


def _fps(p, n_samples):
    p = jax.lax.stop_gradient(p)
    B, N, _ = p.shape
    pt = p.transpose(0, 2, 1)
    px, py, pz = pt[:, 0], pt[:, 1], pt[:, 2]
    idx, cx, cy, cz = pl.pallas_call(
        functools.partial(_fps_body, n_samples=n_samples),
        out_shape=(
            jax.ShapeDtypeStruct((B, n_samples), jnp.int32),
            jax.ShapeDtypeStruct((B, n_samples), jnp.float32),
            jax.ShapeDtypeStruct((B, n_samples), jnp.float32),
            jax.ShapeDtypeStruct((B, n_samples), jnp.float32),
        ),
    )(px, py, pz)
    return idx, jnp.stack([cx, cy, cz], axis=-1)


def _bq_body(cen_ref, sup_ref, out_ref, *, radius, nsample, n):
    cen = cen_ref[0]
    sup = sup_ref[0]
    dot = jax.lax.dot_general(cen, sup, (((1,), (0,)), ((), ())),
                              preferred_element_type=jnp.float32)
    c2 = jnp.sum(cen * cen, axis=1, keepdims=True)
    s2 = jnp.sum(sup * sup, axis=0, keepdims=True)
    d = (c2 + s2) - 2.0 * dot
    mblk = d.shape[0]
    lane = jax.lax.broadcasted_iota(jnp.int32, (mblk, n), 1)
    idx0 = jnp.where(d > radius * radius, n, lane)
    kcol = jax.lax.broadcasted_iota(jnp.int32, (mblk, nsample), 1)
    acc0 = jnp.zeros((mblk, nsample), jnp.int32)

    def body(k, carry):
        idx, acc = carry
        m = jnp.min(idx, axis=1, keepdims=True)
        acc = jnp.where(kcol == k, m, acc)
        idx = jnp.where(idx == m, n, idx)
        return (idx, acc)

    _, acc = jax.lax.fori_loop(0, nsample, body, (idx0, acc0))
    first = acc[:, 0:1]
    out_ref[0] = jnp.where(acc == n, first, acc)


def _ball_query(support, centers, radius, nsample):
    support = jax.lax.stop_gradient(support)
    centers = jax.lax.stop_gradient(centers)
    B, N, _ = support.shape
    M = centers.shape[1]
    sup_t = support.transpose(0, 2, 1)
    mblk = min(M, 256)
    return pl.pallas_call(
        functools.partial(_bq_body, radius=radius, nsample=nsample, n=N),
        grid=(B, M // mblk),
        in_specs=[
            pl.BlockSpec((1, mblk, 3), lambda b, mb: (b, mb, 0)),
            pl.BlockSpec((1, 3, N), lambda b, mb: (b, 0, 0)),
        ],
        out_specs=pl.BlockSpec((1, mblk, nsample), lambda b, mb: (b, mb, 0)),
        out_shape=jax.ShapeDtypeStruct((B, M, nsample), jnp.int32),
    )(centers, sup_t)



_SC_INFO = plsc.get_sparse_core_info()
_NW = _SC_INFO.num_cores * _SC_INFO.num_subcores


def _sc_gather_body(table_hbm, idx_hbm, out_hbm, idx_v, rows_v,
                    sem_i0, sem_i1, sem_o0, sem_o1, sem_g, *, rpw, g):
    wid = lax.axis_index("s") * _SC_INFO.num_cores + lax.axis_index("c")
    base = wid * rpw
    nt = rpw // (2 * g)
    sem_i = (sem_i0, sem_i1)
    sem_o = (sem_o0, sem_o1)

    for s in (0, 1):
        pltpu.async_copy(idx_hbm.at[pl.ds(base + s * g, g)],
                         idx_v.at[s], sem_i[s])

    def body(t, carry):
        for s in (0, 1):
            off = base + (2 * t + s) * g
            pltpu.make_async_copy(idx_hbm.at[pl.ds(0, g)],
                                  idx_v.at[s], sem_i[s]).wait()

            @pl.when(t > 0)
            def _():
                pltpu.make_async_copy(rows_v.at[s],
                                      out_hbm.at[pl.ds(0, g)], sem_o[s]).wait()

            waits = []
            for j in range(g // 128):
                waits.append(pltpu.async_copy(
                    table_hbm.at[idx_v.at[s].at[pl.ds(j * 128, 128)]],
                    rows_v.at[s].at[pl.ds(j * 128, 128)], sem_g))
            for w in waits:
                w.wait()

            @pl.when(t + 1 < nt)
            def _():
                pltpu.async_copy(
                    idx_hbm.at[pl.ds(off + 2 * g, g)], idx_v.at[s], sem_i[s])

            pltpu.async_copy(rows_v.at[s], out_hbm.at[pl.ds(off, g)], sem_o[s])
        return carry

    lax.fori_loop(0, nt, body, 0)
    for s in (0, 1):
        pltpu.make_async_copy(rows_v.at[s],
                              out_hbm.at[pl.ds(0, g)], sem_o[s]).wait()


def _sc_gather(table, idx):
    nrows, d = idx.shape[0], table.shape[1]
    g = 512 if d <= 64 else 256
    unit = _NW * g * 2
    rows = -(-nrows // unit) * unit
    if rows != nrows:
        idx = jnp.pad(idx, (0, rows - nrows))
    kern = pl.kernel(
        functools.partial(_sc_gather_body, rpw=rows // _NW, g=g),
        out_type=jax.ShapeDtypeStruct((rows, d), jnp.float32),
        mesh=plsc.VectorSubcoreMesh(core_axis_name="c", subcore_axis_name="s"),
        scratch_types=[
            pltpu.VMEM((2, g), jnp.int32),
            pltpu.VMEM((2, g, d), jnp.float32),
            pltpu.SemaphoreType.DMA,
            pltpu.SemaphoreType.DMA,
            pltpu.SemaphoreType.DMA,
            pltpu.SemaphoreType.DMA,
            pltpu.SemaphoreType.DMA,
        ],
        compiler_params=pltpu.CompilerParams(use_tc_tiling_on_sc=False),
    )
    return kern(table, idx)


def _pad16(p):
    return jnp.pad(p, ((0, 0), (0, 0), (0, 13)))


def _conv_block(x, w):
    return jax.nn.relu(_inorm(x @ w))


def _channel_attn(x, w1, w2):
    s = x.mean(axis=(1, 2))
    a = jax.nn.sigmoid(jax.nn.relu(s @ w1) @ w2)
    return x * a[:, None, None, :]


def _pc_stage(cur_p, cur_f, sp):
    B, N, _ = cur_p.shape
    M = N // SCALE
    K = GROUP_SIZE
    first = cur_f is cur_p
    idx, center_p = _fps(cur_p, M)
    nidx = _ball_query(cur_p, center_p, RADIUS, GROUP_SIZE)
    off = jnp.arange(B, dtype=jnp.int32)[:, None] * N
    gidx = (nidx.reshape(B, M * K) + off).reshape(-1)
    w1 = sp['w1']
    zpad = jnp.zeros((13, w1.shape[1]), jnp.float32)
    if first:
        table = _pad16(cur_p).reshape(B * N, 16)
        out = _sc_gather(table, gidx)
        g = out[:B * M * K].reshape(B, M, K, 16)
        dp = g - _pad16(center_p)[:, :, None, :]
        h = jnp.concatenate([dp, dp], axis=-1)
        w1p = jnp.concatenate([w1[:3], zpad, w1[3:6], zpad], axis=0)
    else:
        c = cur_f.shape[-1]
        table = jnp.concatenate([_pad16(cur_p), cur_f], -1).reshape(B * N, 16 + c)
        cidx = (idx + off).reshape(-1)
        out = _sc_gather(table, jnp.concatenate([gidx, cidx]))
        ng = B * M * K
        g = out[:ng].reshape(B, M, K, 16 + c)
        cen = out[ng:ng + B * M].reshape(B, M, 16 + c)
        h = g - cen[:, :, None, :]
        w1p = jnp.concatenate([w1[:3], zpad, w1[3:]], axis=0)
    h = _channel_attn(_conv_block(h, w1p), sp['ca1_w1'], sp['ca1_w2'])
    pooled = jnp.broadcast_to(h.max(axis=2, keepdims=True), h.shape)
    h = jnp.concatenate([pooled, h], axis=-1)
    h = _channel_attn(_conv_block(h, sp['w2']), sp['ca2_w1'], sp['ca2_w2'])
    return center_p, h.max(axis=2)


def _vit_block(x, bp):
    B, T, C = x.shape
    hd = C // NHEADS
    h = _ln(x, bp['ln1_g'], bp['ln1_b'], 1e-5)
    qkv = h @ bp['qkv_w'] + bp['qkv_b']
    q, k, v = jnp.split(qkv, 3, axis=-1)
    q = q.reshape(B, T, NHEADS, hd).transpose(0, 2, 1, 3)
    k = k.reshape(B, T, NHEADS, hd).transpose(0, 2, 1, 3)
    v = v.reshape(B, T, NHEADS, hd).transpose(0, 2, 1, 3)
    attn = jax.nn.softmax((q @ k.transpose(0, 1, 3, 2)) * (hd ** -0.5), axis=-1)
    o = (attn @ v).transpose(0, 2, 1, 3).reshape(B, T, C)
    x = x + (o @ bp['proj_w'] + bp['proj_b'])
    h = _ln(x, bp['ln2_g'], bp['ln2_b'], 1e-5)
    x = x + (_gelu(h @ bp['fc1_w'] + bp['fc1_b']) @ bp['fc2_w'] + bp['fc2_b'])
    return x


def _cross_mha(q_in, kv_in, cp):
    B, Tq, C = q_in.shape
    Tk = kv_in.shape[1]
    hd = C // NHEADS
    q = q_in @ cp['in_w'][:, :C] + cp['in_b'][:C]
    k = kv_in @ cp['in_w'][:, C:2 * C] + cp['in_b'][C:2 * C]
    v = kv_in @ cp['in_w'][:, 2 * C:] + cp['in_b'][2 * C:]
    q = q.reshape(B, Tq, NHEADS, hd).transpose(0, 2, 1, 3)
    k = k.reshape(B, Tk, NHEADS, hd).transpose(0, 2, 1, 3)
    v = v.reshape(B, Tk, NHEADS, hd).transpose(0, 2, 1, 3)
    attn = jax.nn.softmax((q @ k.transpose(0, 1, 3, 2)) * (hd ** -0.5), axis=-1)
    o = (attn @ v).transpose(0, 2, 1, 3).reshape(B, Tq, C)
    return o @ cp['out_w'] + cp['out_b']




def _hcl_body(imf_ref, pcf_ref, out_ref, acc_ref):
    b = pl.program_id(0)
    nb = pl.num_programs(0)
    imf = imf_ref[0]
    pcf = pcf_ref[0]
    imf = imf / jnp.maximum(jnp.sqrt(jnp.sum(imf * imf, -1, keepdims=True)), 1e-12)
    pcf = pcf / jnp.maximum(jnp.sqrt(jnp.sum(pcf * pcf, -1, keepdims=True)), 1e-12)
    T, C = imf.shape
    gc = jax.lax.dot_general(imf, pcf, (((0,), (0,)), ((), ())),
                             preferred_element_type=jnp.float32)
    eye = (jax.lax.broadcasted_iota(jnp.int32, (C, C), 0)
           == jax.lax.broadcasted_iota(jnp.int32, (C, C), 1)).astype(jnp.float32)
    gsum = jnp.sum((gc - eye) ** 2)
    il = jax.lax.dot_general(imf, imf, (((1,), (1,)), ((), ())),
                             preferred_element_type=jnp.float32)
    plm = jax.lax.dot_general(pcf, pcf, (((1,), (1,)), ((), ())),
                              preferred_element_type=jnp.float32)
    lsum = jnp.sum((il - plm) ** 2)

    @pl.when(b == 0)
    def _():
        acc_ref[0, 0] = 0.0
        acc_ref[0, 1] = 0.0

    acc_ref[0, 0] += gsum
    acc_ref[0, 1] += lsum

    @pl.when(b == nb - 1)
    def _():
        total = (acc_ref[0, 0] / (nb * C * C)
                 + acc_ref[0, 1] / (nb * T * T))
        out_ref[...] = jnp.full((1, 1), total, jnp.float32)


def _hcl_pallas(imf, pcf):
    B, T, C = imf.shape
    out = pl.pallas_call(
        _hcl_body,
        grid=(B,),
        in_specs=[
            pl.BlockSpec((1, T, C), lambda b: (b, 0, 0)),
            pl.BlockSpec((1, T, C), lambda b: (b, 0, 0)),
        ],
        out_specs=pl.BlockSpec((1, 1), lambda b: (0, 0)),
        out_shape=jax.ShapeDtypeStruct((1, 1), jnp.float32),
        scratch_shapes=[pltpu.SMEM((1, 2), jnp.float32)],
    )(imf, pcf)
    return out[0, 0]


def _forward(pc, im, params):
    p, f = pc, pc
    for sp in params['pc_stages']:
        p, f = _pc_stage(p, f, sp)
    pc_tok = f @ params['proj_w'] + params['proj_b']
    pos = _gelu(p @ params['pos1_w'] + params['pos1_b']) @ params['pos2_w'] + params['pos2_b']
    pc_tok = pc_tok + pos
    B, C, H, W = im.shape
    gh, gw = H // PATCH, W // PATCH
    x = im.reshape(B, C, gh, PATCH, gw, PATCH).transpose(0, 2, 4, 1, 3, 5).reshape(B, gh * gw, C * PATCH * PATCH)
    im_tok = x @ params['patch_w'] + params['patch_b']
    for bp in params['blocks']:
        im_tok = _vit_block(im_tok, bp)
    for bp in params['blocks']:
        pc_tok = _vit_block(pc_tok, bp)
    im_f = _ln(im_tok, params['im_norm_g'], params['im_norm_b'], 1e-6)
    pc_f = _ln(pc_tok, params['pc_norm_g'], params['pc_norm_b'], 1e-6)
    cross = _cross_mha(im_f, pc_f, params['cross'])
    cross = _ln(im_f + cross, params['cn_g'], params['cn_b'], 1e-5)
    fused = jnp.concatenate([im_f, cross], axis=-1) @ params['fuse_w'] + params['fuse_b']
    return _hcl_pallas(fused, pc_f)


def kernel(pc, im, params):
    return _forward(pc, im, params)

# --- scband reference (transcript-rebuilt; emitter-appended) ---
"""Pipeline reference for scband-transfer-loss-shared-encoder-14860586844489 (READ-ONLY COPY).

The authoritative reference and input builder live on the scoring server;
editing this copy changes nothing except your own understanding.
"""

import jax, jax.numpy as jnp
import numpy as np

D = 192
NHEADS = 12
DEPTH = 3
PATCH = 14
SCALE = 2
GROUP_SIZE = 32
RADIUS = 0.1
PC_STAGE_DIMS = [(3, 96), (96, 192), (192, 384)]


def _ln(x, g, b, eps):
    m = x.mean(-1, keepdims=True)
    v = x.var(-1, keepdims=True)
    return (x - m) / jnp.sqrt(v + eps) * g + b


def _inorm(x):
    m = x.mean(axis=(1, 2), keepdims=True)
    v = x.var(axis=(1, 2), keepdims=True)
    return (x - m) / jnp.sqrt(v + 1e-5)


def _gelu(x):
    return jax.nn.gelu(x, approximate=False)


def _fps(p, n_samples):
    p = jax.lax.stop_gradient(p)
    B, N, _ = p.shape
    start = jnp.zeros((B,), jnp.int32)
    dists0 = jnp.full((B, N), 1e10, dtype=p.dtype)
    idx_buf = jnp.zeros((B, n_samples), jnp.int32).at[:, 0].set(start)

    def body(i, state):
        dists, buf, last = state
        last_p = jnp.take_along_axis(p, last[:, None, None], axis=1)
        d = jnp.sum((p - last_p) ** 2, axis=-1)
        dists = jnp.minimum(dists, d)
        nxt = jnp.argmax(dists, axis=-1).astype(jnp.int32)
        buf = buf.at[:, i].set(nxt)
        return (dists, buf, nxt)

    _, buf, _ = jax.lax.fori_loop(1, n_samples, body, (dists0, idx_buf, start))
    return buf


def _ball_query(support, centers, radius, nsample):
    support = jax.lax.stop_gradient(support)
    centers = jax.lax.stop_gradient(centers)
    B, N, _ = support.shape
    d = (jnp.sum(centers ** 2, -1)[:, :, None]
         + jnp.sum(support ** 2, -1)[:, None, :]
         - 2.0 * jnp.einsum('bmd,bnd->bmn', centers, support))
    idx = jnp.broadcast_to(jnp.arange(N, dtype=jnp.int32), d.shape)
    idx = jnp.where(d > radius * radius, N, idx)
    idx = jnp.sort(idx, axis=-1)[:, :, :nsample]
    first = idx[:, :, :1]
    idx = jnp.where(idx == N, jnp.broadcast_to(first, idx.shape), idx)
    return idx


def _gather(x, idx):
    return jnp.take_along_axis(x, idx[..., None], axis=1)


def _group(x, idx):
    B, M, K = idx.shape
    g = jnp.take_along_axis(x, idx.reshape(B, M * K)[..., None], axis=1)
    return g.reshape(B, M, K, x.shape[-1])


def _conv_block(x, w):
    return jax.nn.relu(_inorm(x @ w))


def _channel_attn(x, w1, w2):
    s = x.mean(axis=(1, 2))
    a = jax.nn.sigmoid(jax.nn.relu(s @ w1) @ w2)
    return x * a[:, None, None, :]


def _pc_stage(cur_p, cur_f, sp):
    B, N, _ = cur_p.shape
    M = N // SCALE
    idx = _fps(cur_p, M)
    center_p = _gather(cur_p, idx)
    center_f = _gather(cur_f, idx)
    nidx = _ball_query(cur_p, center_p, RADIUS, GROUP_SIZE)
    dp = _group(cur_p, nidx) - center_p[:, :, None, :]
    fj = _group(cur_f, nidx)
    df = fj - center_f[:, :, None, :]
    h = jnp.concatenate([dp, df], axis=-1)
    h = _channel_attn(_conv_block(h, sp['w1']), sp['ca1_w1'], sp['ca1_w2'])
    pooled = jnp.broadcast_to(h.max(axis=2, keepdims=True), h.shape)
    h = jnp.concatenate([pooled, h], axis=-1)
    h = _channel_attn(_conv_block(h, sp['w2']), sp['ca2_w1'], sp['ca2_w2'])
    return center_p, h.max(axis=2)


def _vit_block(x, bp):
    B, T, C = x.shape
    hd = C // NHEADS
    h = _ln(x, bp['ln1_g'], bp['ln1_b'], 1e-5)
    qkv = h @ bp['qkv_w'] + bp['qkv_b']
    q, k, v = jnp.split(qkv, 3, axis=-1)
    q = q.reshape(B, T, NHEADS, hd).transpose(0, 2, 1, 3)
    k = k.reshape(B, T, NHEADS, hd).transpose(0, 2, 1, 3)
    v = v.reshape(B, T, NHEADS, hd).transpose(0, 2, 1, 3)
    attn = jax.nn.softmax((q @ k.transpose(0, 1, 3, 2)) * (hd ** -0.5), axis=-1)
    o = (attn @ v).transpose(0, 2, 1, 3).reshape(B, T, C)
    x = x + (o @ bp['proj_w'] + bp['proj_b'])
    h = _ln(x, bp['ln2_g'], bp['ln2_b'], 1e-5)
    x = x + (_gelu(h @ bp['fc1_w'] + bp['fc1_b']) @ bp['fc2_w'] + bp['fc2_b'])
    return x


def _cross_mha(q_in, kv_in, cp):
    B, Tq, C = q_in.shape
    Tk = kv_in.shape[1]
    hd = C // NHEADS
    q = q_in @ cp['in_w'][:, :C] + cp['in_b'][:C]
    k = kv_in @ cp['in_w'][:, C:2 * C] + cp['in_b'][C:2 * C]
    v = kv_in @ cp['in_w'][:, 2 * C:] + cp['in_b'][2 * C:]
    q = q.reshape(B, Tq, NHEADS, hd).transpose(0, 2, 1, 3)
    k = k.reshape(B, Tk, NHEADS, hd).transpose(0, 2, 1, 3)
    v = v.reshape(B, Tk, NHEADS, hd).transpose(0, 2, 1, 3)
    attn = jax.nn.softmax((q @ k.transpose(0, 1, 3, 2)) * (hd ** -0.5), axis=-1)
    o = (attn @ v).transpose(0, 2, 1, 3).reshape(B, Tq, C)
    return o @ cp['out_w'] + cp['out_b']


def _normalize(x):
    n = jnp.linalg.norm(x, axis=-1, keepdims=True)
    return x / jnp.maximum(n, 1e-12)


def _hcl(imf, pcf, alpha=1.0, beta=1.0):
    imf = _normalize(imf)
    pcf = _normalize(pcf)
    gc = jnp.einsum('bnc,bnd->bcd', imf, pcf)
    gl = jnp.mean((gc - jnp.eye(gc.shape[-1], dtype=gc.dtype)) ** 2)
    il = jnp.einsum('bik,bjk->bij', imf, imf)
    pl = jnp.einsum('bik,bjk->bij', pcf, pcf)
    ll = jnp.mean((il - pl) ** 2)
    return alpha * gl + beta * ll


def _forward(pc, im, params):
    p, f = pc, pc
    for sp in params['pc_stages']:
        p, f = _pc_stage(p, f, sp)
    pc_tok = f @ params['proj_w'] + params['proj_b']
    pos = _gelu(p @ params['pos1_w'] + params['pos1_b']) @ params['pos2_w'] + params['pos2_b']
    pc_tok = pc_tok + pos
    B, C, H, W = im.shape
    gh, gw = H // PATCH, W // PATCH
    x = im.reshape(B, C, gh, PATCH, gw, PATCH).transpose(0, 2, 4, 1, 3, 5).reshape(B, gh * gw, C * PATCH * PATCH)
    im_tok = x @ params['patch_w'] + params['patch_b']
    for bp in params['blocks']:
        im_tok = _vit_block(im_tok, bp)
    for bp in params['blocks']:
        pc_tok = _vit_block(pc_tok, bp)
    im_f = _ln(im_tok, params['im_norm_g'], params['im_norm_b'], 1e-6)
    pc_f = _ln(pc_tok, params['pc_norm_g'], params['pc_norm_b'], 1e-6)
    cross = _cross_mha(im_f, pc_f, params['cross'])
    cross = _ln(im_f + cross, params['cn_g'], params['cn_b'], 1e-5)
    fused = jnp.concatenate([im_f, cross], axis=-1) @ params['fuse_w'] + params['fuse_b']
    return _hcl(fused, pc_f, 1.0, 1.0)


def _make_params():
    master = jax.random.key(0)
    cnt = [0]

    def nxt():
        cnt[0] += 1
        return jax.random.fold_in(master, cnt[0])

    def w(shape, s=0.02):
        return jax.random.normal(nxt(), shape, jnp.float32) * s

    pc_stages = []
    for cin, cout in PC_STAGE_DIMS:
        pc_stages.append({
            'w1': w((cin + 3, cout)),
            'ca1_w1': w((cout, cout // 4)),
            'ca1_w2': w((cout // 4, cout)),
            'w2': w((2 * cout, cout)),
            'ca2_w1': w((cout, cout // 4)),
            'ca2_w2': w((cout // 4, cout)),
        })
    blocks = []
    for _ in range(DEPTH):
        blocks.append({
            'ln1_g': jnp.ones((D,), jnp.float32), 'ln1_b': jnp.zeros((D,), jnp.float32),
            'qkv_w': w((D, 3 * D)), 'qkv_b': jnp.zeros((3 * D,), jnp.float32),
            'proj_w': w((D, D)), 'proj_b': jnp.zeros((D,), jnp.float32),
            'ln2_g': jnp.ones((D,), jnp.float32), 'ln2_b': jnp.zeros((D,), jnp.float32),
            'fc1_w': w((D, 4 * D)), 'fc1_b': jnp.zeros((4 * D,), jnp.float32),
            'fc2_w': w((4 * D, D)), 'fc2_b': jnp.zeros((D,), jnp.float32),
        })
    return {
        'pc_stages': pc_stages,
        'blocks': blocks,
        'proj_w': w((384, D)), 'proj_b': jnp.zeros((D,), jnp.float32),
        'pos1_w': w((3, 128)), 'pos1_b': jnp.zeros((128,), jnp.float32),
        'pos2_w': w((128, D)), 'pos2_b': jnp.zeros((D,), jnp.float32),
        'patch_w': w((3 * PATCH * PATCH, D)), 'patch_b': jnp.zeros((D,), jnp.float32),
        'im_norm_g': jnp.ones((D,), jnp.float32), 'im_norm_b': jnp.zeros((D,), jnp.float32),
        'pc_norm_g': jnp.ones((D,), jnp.float32), 'pc_norm_b': jnp.zeros((D,), jnp.float32),
        'cross': {'in_w': w((D, 3 * D)), 'in_b': jnp.zeros((3 * D,), jnp.float32),
                  'out_w': w((D, D)), 'out_b': jnp.zeros((D,), jnp.float32)},
        'cn_g': jnp.ones((D,), jnp.float32), 'cn_b': jnp.zeros((D,), jnp.float32),
        'fuse_w': w((2 * D, D)), 'fuse_b': jnp.zeros((D,), jnp.float32),
    }


def setup_inputs(seed: int = 0):
    key = jax.random.key(seed)
    pc = jax.random.uniform(jax.random.fold_in(key, 1), (8, 2048, 3), jnp.float32)
    im = jax.random.normal(jax.random.fold_in(key, 2), (8, 3, 224, 224), jnp.float32)
    return {'pc': pc, 'im': im, 'params': _make_params()}


def reference(pc, im, params):
    return _forward(pc, im, params)

if __name__ == "__main__":
    import jax
    _d = setup_inputs()
    print(jax.jit(kernel)(*tuple(_d.values())))

</pallas_src>

<mosaic_0001>
module {
  func.func @main(%arg0: i32, %arg1: i32, %arg2: i32, %arg3: i32, %arg4: memref<1x1x256x256xf32, #tpu.memory_space<vmem>>, %arg5: memref<1x1x256x16xf32, #tpu.memory_space<vmem>>, %arg6: memref<1x1x256x16xf32, #tpu.memory_space<vmem>>, %arg7: memref<1x1x256x1xf32, #tpu.memory_space<vmem>>, %arg8: memref<1x1x256x1xf32, #tpu.memory_space<vmem>>) attributes {dimension_semantics = [#tpu.dimension_semantics<parallel>, #tpu.dimension_semantics<parallel>, #tpu.dimension_semantics<parallel>, #tpu.dimension_semantics<arbitrary>], iteration_bounds = array<i64: 8, 12, 1, 1>, scratch_operands = 2 : i64, window_params = [{transform_indices = @qk_fn, window_bounds = array<i64: 1, 1, 256, 256>}, {transform_indices = @v_fn, window_bounds = array<i64: 1, 1, 256, 16>}, {transform_indices = @oi_fn, window_bounds = array<i64: 1, 1, 256, 16>}]} {
    %c0 = arith.constant 0 : index
    %c0_i32 = arith.constant 0 : i32
    %0 = arith.cmpi eq, %c0_i32, %arg3 : i32
    scf.if %0 {
      %cst_3 = arith.constant dense<0.000000e+00> : vector<1x1x256x16xf32>
      vector.store %cst_3, %arg6[%c0, %c0, %c0, %c0] : memref<1x1x256x16xf32, #tpu.memory_space<vmem>>, vector<1x1x256x16xf32>
      %cst_4 = arith.constant dense<0xFF800000> : vector<1x1x256x1xf32>
      vector.store %cst_4, %arg7[%c0, %c0, %c0, %c0] : memref<1x1x256x1xf32, #tpu.memory_space<vmem>>, vector<1x1x256x1xf32>
      %cst_5 = arith.constant dense<0.000000e+00> : vector<1x1x256x1xf32>
      vector.store %cst_5, %arg8[%c0, %c0, %c0, %c0] : memref<1x1x256x1xf32, #tpu.memory_space<vmem>>, vector<1x1x256x1xf32>
    }
    %1 = vector.load %arg4[%c0, %c0, %c0, %c0] : memref<1x1x256x256xf32, #tpu.memory_space<vmem>>, vector<1x1x256x256xf32>
    %cst = arith.constant dense<0xFF800000> : vector<1x1x256xf32>
    %2 = vector.multi_reduction <maximumf>, %1, %cst [3] : vector<1x1x256x256xf32> to vector<1x1x256xf32>
    %3 = vector.shape_cast %2 : vector<1x1x256xf32> to vector<1x1x256x1xf32>
    %4 = vector.load %arg7[%c0, %c0, %c0, %c0] : memref<1x1x256x1xf32, #tpu.memory_space<vmem>>, vector<1x1x256x1xf32>
    %5 = arith.maximumf %4, %3 : vector<1x1x256x1xf32>
    %cst_0 = arith.constant dense<0.000000e+00> : vector<1x1x256x1xf32>
    %6 = arith.cmpf oeq, %4, %5 : vector<1x1x256x1xf32>
    %7 = arith.subf %4, %5 : vector<1x1x256x1xf32>
    %8 = arith.select %6, %cst_0, %7 : vector<1x1x256x1xi1>, vector<1x1x256x1xf32>
    %9 = vector.broadcast %5 : vector<1x1x256x1xf32> to vector<1x1x256x256xf32>
    %10 = arith.subf %1, %9 : vector<1x1x256x256xf32>
    %11 = math.exp %10 : vector<1x1x256x256xf32>
    %cst_1 = arith.constant dense<0.000000e+00> : vector<1x1x256xf32>
    %12 = vector.multi_reduction <add>, %11, %cst_1 [3] : vector<1x1x256x256xf32> to vector<1x1x256xf32>
    %13 = vector.shape_cast %12 : vector<1x1x256xf32> to vector<1x1x256x1xf32>
    %14 = vector.load %arg8[%c0, %c0, %c0, %c0] : memref<1x1x256x1xf32, #tpu.memory_space<vmem>>, vector<1x1x256x1xf32>
    %15 = math.exp %8 : vector<1x1x256x1xf32>
    %16 = arith.mulf %15, %14 : vector<1x1x256x1xf32>
    %17 = arith.addf %16, %13 : vector<1x1x256x1xf32>
    %18 = vector.load %arg6[%c0, %c0, %c0, %c0] : memref<1x1x256x16xf32, #tpu.memory_space<vmem>>, vector<1x1x256x16xf32>
    %19 = math.exp %8 : vector<1x1x256x1xf32>
    %20 = arith.mulf %19, %14 : vector<1x1x256x1xf32>
    %21 = vector.broadcast %20 : vector<1x1x256x1xf32> to vector<1x1x256x16xf32>
    %22 = arith.mulf %21, %18 : vector<1x1x256x16xf32>
    %23 = vector.load %arg5[%c0, %c0, %c0, %c0] : memref<1x1x256x16xf32, #tpu.memory_space<vmem>>, vector<1x1x256x16xf32>
    %24 = vector.shape_cast %23 : vector<1x1x256x16xf32> to vector<256x16xf32>
    %25 = vector.shape_cast %11 : vector<1x1x256x256xf32> to vector<256x256xf32>
    %26 = vector.shape_cast %22 : vector<1x1x256x16xf32> to vector<256x16xf32>
    %27 = tpu.matmul %25, %24, %26 {dimension_numbers = #tpu.dot_dimension_numbers<[1], [0], [0], [1], [0, 0, 1, 1], [], []>, precision = #tpu.contract_precision<bf16>, transpose_lhs_hint = false} : vector<256x256xf32>, vector<256x16xf32>, vector<256x16xf32> -> vector<256x16xf32>
    %28 = vector.shape_cast %27 : vector<256x16xf32> to vector<1x1x256x16xf32>
    %cst_2 = arith.constant dense<1.000000e+00> : vector<1x1x256x1xf32>
    %29 = arith.divf %cst_2, %17 : vector<1x1x256x1xf32>
    %30 = vector.broadcast %29 : vector<1x1x256x1xf32> to vector<1x1x256x16xf32>
    %31 = arith.mulf %28, %30 : vector<1x1x256x16xf32>
    %32 = vector.shape_cast %31 : vector<1x1x256x16xf32> to vector<1x1x256x16xf32>
    vector.store %32, %arg6[%c0, %c0, %c0, %c0] : memref<1x1x256x16xf32, #tpu.memory_space<vmem>>, vector<1x1x256x16xf32>
    vector.store %5, %arg7[%c0, %c0, %c0, %c0] : memref<1x1x256x1xf32, #tpu.memory_space<vmem>>, vector<1x1x256x1xf32>
    vector.store %17, %arg8[%c0, %c0, %c0, %c0] : memref<1x1x256x1xf32, #tpu.memory_space<vmem>>, vector<1x1x256x1xf32>
    return
  }
  func.func @qk_fn(%arg0: i32, %arg1: i32, %arg2: i32, %arg3: i32) -> (i32, i32, i32, i32) {
    return %arg0, %arg1, %arg2, %arg3 : i32, i32, i32, i32
  }
  func.func @v_fn(%arg0: i32, %arg1: i32, %arg2: i32, %arg3: i32) -> (i32, i32, i32, i32) {
    %c0_i32 = arith.constant 0 : i32
    return %arg0, %arg1, %arg3, %c0_i32 : i32, i32, i32, i32
  }
  func.func @oi_fn(%arg0: i32, %arg1: i32, %arg2: i32, %arg3: i32) -> (i32, i32, i32, i32) {
    %c0_i32 = arith.constant 0 : i32
    return %arg0, %arg1, %arg2, %c0_i32 : i32, i32, i32, i32
  }
}

</mosaic_0001>

<sc_bundles>
// kernel: gather_offload_async_start.1
scs
__scs_entry_jumppad:
0x0: {  	(pc) =	sbr.rel $0x88, $3  }
0x1: {  	(tag) =	ssettag $0x0;
	lr =	simm.s32 $0x1  }
0x2: {  	[smem:$0x3F55] =	sst lr;
	_ =	strace $0xD0000000  }
0x3: {  	_ = 	snop  }
0x4: {  	_ = 	snop  }
0x5: {  	_ = 	snop  }
0x6: {  	_ = 	snop  }
0x7: {  	_ = 	snop  }
__scs_overlays_trampoline_lowered:
0x8: {  	[smem:$0x3F64] =	sst s0  }
0x9: {  	[smem:$0x3F65] =	sst s1  }
0xa: {  	[smem:$0x3F66] =	sst s2  }
0xb: {  	[smem:$0x3F67] =	sst s3  }
0xc: {  	[smem:$0x3F68] =	sst s4  }
0xd: {  	[smem:$0x3F69] =	sst s5  }
0xe: {  	[smem:$0x3F6A] =	sst s6  }
0xf: {  	[smem:$0x3F6B] =	sst s7  }
0x10: {  	[smem:$0x3F6C] =	sst s8  }
0x11: {  	[smem:$0x3F6D] =	sst s9;
	s0 =	simm.s32 @!p0 $0x0  }
0x12: {  	s1 =	sld [smem:$0x3F53];
	s0 =	simm.s32 @p0 $0x1  }
0x13: {  	[smem:$0x3F6E] =	sst s0;
	s0 =	simm.s32 @!p1 $0x0  }
0x14: {  	s2 =	sld [smem:$0x3F52];
	s0 =	simm.s32 @p1 $0x1  }
0x15: {  	[smem:$0x3F6F] =	sst s0;
	s0 =	simm.s32 @!p2 $0x0  }
0x16: {  	s3 =	sld [smem:$0x3FDB];
	s0 =	simm.s32 @p2 $0x1  }
0x17: {  	s4 =	simm.s32 $0x1BF5;
	[smem:$0x3F71] =	sst s0  }
0x18: {  	s0 =	sld [smem:$0x3F54];
	_ =	swait.ge [sflag:s4], $0x0  }
0x19: {  	s7 =	sld [smem:$0x3F55]  }
0x1a: {  	s8 =	sadd.s32 $0xFFFFE003, lr  }
0x1b: {  	s9 =	sadd.s32 $0xFFFFFEF7, lr;
	s5 =	simm.s32 $0xFFFFFFFF;
	p2 =	slt.u32 s8, $0xFFFFF086  }
0x1c: {  	p1 =	slt.u32 s9, $0xF7A;
	s5 =	simm.s32 @!p2 $0x0  }
0x1d: {  	s5 =	simm.s32 @p1 $0x1;
	p0 =	seq.s32 s7, s2  }
0x1e: {  	s7 =	smul.u32 @!p0 $0xF7A, s2;
	p2 =	seq.s32 @!p0 s5, $0x0  }
0x1f: {  	s9 =	smul.u32 $0xF7A, s1;
	s8 =	simm.s32 @!p0 $0x1BF5;
	p2 =	por !p2, p0  }
0x20: {  	[sflag:s8] =	ssyncset.s32 @!p0 $0xFFFFF086;
	s6 =	sadd.s32 @!p0 s3, s7;
	s7 =	simm.s32 @!p0 $0x108  }
0x21: {  	s3 =	sadd.s32 s3, s9;
	s6 =	sadd.s32 @!p0 $0x88, s6;
	s7 =	simm.s32 @p2 $0x1082  }
0x22: {  	[simem:s7], [sflag:s8] =	dma.local @!p0 [hbm:s6], $0xF7A  }
0x23: {  	s9 =	sor.u32 $0xD0000000, s2;
	s6 =	simm.s32 $0x108;
	_ =	swait.ge @!p0 [sflag:s8], $0x0  }
0x24: {  	s3 =	sadd.s32 $0x88, s3;
	s6 =	simm.s32 @!p1 $0x1082;
	[sflag:s4] =	ssyncset.s32 $0xFFFFF086  }
0x25: {  	[simem:s6], [sflag:s4] =	dma.local [hbm:s3], $0xF7A  }
0x26: {  	[smem:$0x3F55] =	sst s1;
	(tag) =	ssettag s2;
	_ =	strace s9  }
0x27: {  	s1 =	sld [smem:$0x3F65]  }
0x28: {  	s2 =	sld [smem:$0x3F66]  }
0x29: {  	s4 =	sld [smem:$0x3F68]  }
0x2a: {  	p0 =	seq.s32 s5, $0x0;
	s5 =	sld [smem:$0x3F69]  }
0x2b: {  	s6 =	sld [smem:$0x3F6A]  }
0x2c: {  	s7 =	sld [smem:$0x3F6B]  }
0x2d: {  	s3 =	simm.s32 $0x108;
	s8 =	sld [smem:$0x3F6C]  }
0x2e: {  	s3 =	simm.s32 @!p0 $0x1082;
	s9 =	sld [smem:$0x3F6D]  }
0x2f: {  	lr =	sadd.s32 s0, s3;
	s0 =	sld [smem:$0x3F64]  }
0x30: {  	s3 =	sld [smem:$0x3F67]  }
0x31: {  	[smem:$0x3F70] =	sst s10  }
0x32: {  	s10 =	sld [smem:$0x3F6E];
	_ =	sdelay $0x3  }
0x33: {  	p0 =	seq.s32 s10, $0x1;
	s10 =	sld [smem:$0x3F70];
	_ =	sdelay $0x3  }
0x34: {  	[smem:$0x3F70] =	sst s10  }
0x35: {  	s10 =	sld [smem:$0x3F6F];
	_ =	sdelay $0x3  }
0x36: {  	p1 =	seq.s32 s10, $0x1;
	s10 =	sld [smem:$0x3F70];
	_ =	sdelay $0x3  }
0x37: {  	[smem:$0x3F70] =	sst s10  }
0x38: {  	s10 =	sld [smem:$0x3F71]  }
0x39: {  	_ = 	snop;
	(pc) =	sbr.ind lr, $3  }
0x3a: {  	_ = 	snop  }
0x3b: {  	_ = 	snop  }
0x3c: {  	p2 =	seq.s32 s10, $0x1;
	s10 =	sld [smem:$0x3F70]  }
0x3d: {  	_ =	shalt  }
0x3e: {  	_ =	shalt  }
0x3f: {  	_ =	shalt  }
0x40: {  	_ =	shalt  }
0x41: {  	_ =	shalt  }
0x42: {  	_ =	shalt  }
0x43: {  	_ =	shalt  }
0x44: {  	_ =	shalt  }
0x45: {  	_ =	shalt  }
0x46: {  	_ =	shalt  }
0x47: {  	_ =	shalt  }
0x48: {  	_ =	shalt  }
0x49: {  	_ =	shalt  }
0x4a: {  	_ =	shalt  }
0x4b: {  	_ =	shalt  }
0x4c: {  	_ =	shalt  }
0x4d: {  	_ =	shalt  }
0x4e: {  	_ =	shalt  }
0x4f: {  	_ =	shalt  }
0x50: {  	_ =	shalt  }
0x51: {  	_ =	shalt  }
0x52: {  	_ =	shalt  }
0x53: {  	_ =	shalt  }
0x54: {  	_ =	shalt  }
0x55: {  	_ =	shalt  }
0x56: {  	_ =	shalt  }
0x57: {  	_ =	shalt  }
0x58: {  	_ =	shalt  }
0x59: {  	_ =	shalt  }
0x5a: {  	_ =	shalt  }
0x5b: {  	_ =	shalt  }
0x5c: {  	_ =	shalt  }
0x5d: {  	_ =	shalt  }
0x5e: {  	_ =	shalt  }
0x5f: {  	_ =	shalt  }
0x60: {  	_ =	shalt  }
0x61: {  	_ =	shalt  }
0x62: {  	_ =	shalt  }
0x63: {  	_ =	shalt  }
0x64: {  	_ =	shalt  }
0x65: {  	_ =	shalt  }
0x66: {  	_ =	shalt  }
0x67: {  	_ =	shalt  }
0x68: {  	_ =	shalt  }
0x69: {  	_ =	shalt  }
0x6a: {  	_ =	shalt  }
0x6b: {  	_ =	shalt  }
0x6c: {  	_ =	shalt  }
0x6d: {  	_ =	shalt  }
0x6e: {  	_ =	shalt  }
0x6f: {  	_ =	shalt  }
0x70: {  	_ =	shalt  }
0x71: {  	_ =	shalt  }
0x72: {  	_ =	shalt  }
0x73: {  	_ =	shalt  }
0x74: {  	_ =	shalt  }
0x75: {  	_ =	shalt  }
0x76: {  	_ =	shalt  }
0x77: {  	_ =	shalt  }
0x78: {  	_ =	shalt  }
0x79: {  	_ =	shalt  }
0x7a: {  	_ =	shalt  }
0x7b: {  	_ =	shalt  }
0x7c: {  	_ =	shalt  }
0x7d: {  	_ =	shalt  }
0x7e: {  	_ =	shalt  }
0x7f: {  	_ =	shalt  }
0x80: {  	_ =	shalt  }
0x81: {  	_ =	shalt  }
0x82: {  	_ =	shalt  }
0x83: {  	_ =	shalt  }
0x84: {  	_ =	shalt  }
0x85: {  	_ =	shalt  }
0x86: {  	_ =	shalt  }
0x87: {  	_ =	shalt  }
.Lfunc_end0:
.L_simem_size_0:
called_computation.4_lowered:
.L_overlay_start_0:
0x88: {  	s2 =	sld [smem:$0x3FD9]  }
0x89: {  	s3 =	sld [smem:$0x3FFE];
	_ =	sdelay $0x1  }
0x8a: {  	s1 =	srdreg.scid  }
0x8b: {  	s0 =	sand.u32 $0x1, s1  }
0x8c: {  	s16 =	sshll.u32 s0, $0xA;
	s2 =	sadd.s32 s3, s2  }
0x8d: {  	s2 =	sadd.s32 s2, s16  }
0x8e: {  	[smem:$0x3F7C] =	sst s2  }
0x8f: {  	_ = 	snop  }
0x90: {  	(tm) =	ssettm $0x1  }
0x91: {  	s17 =	sld [smem:$0x3FFB];
	_ =	sdelay $0x3  }
0x92: {  	_ =	strace s17  }
0x93: {  	s2 =	sld [smem:$0x3FFC];
	_ =	sdelay $0x3  }
0x94: {  	_ =	strace s2  }
0x95: {  	s2 =	sld [smem:$0x3FFD];
	_ =	sdelay $0x3  }
0x96: {  	_ =	strace s2  }
0x97: {  	_ =	strace $0x8FFFFFFF  }
0x98: {  	s18 =	sld [smem:$0x3FDB];
	_ =	sdelay $0x1  }
0x99: {  	s19 =	simm.s32 $_scs_section_size  }
0x9a: {  	s4 =	simm.s32 $_size__tile_overlayer_lowered;
	s5 =	simm.s32 $_tile_overlayer_lowered  }
0x9b: {  	s22 =	simm.s32 $0x1BFF;
	s21 =	sshll.u32 s5, $0x1;
	s2 =	sadd.s32 s19, s18  }
0x9c: {  	s6 =	simm.s32 $0x0;
	s20 =	sshll.u32 s4, $0x1;
	s4 =	sadd.s32 s21, s2  }
0x9d: {  	[timem:s6], [sflag:s22] =	dma.local [hbm:s4], s20  }
0x9e: {  	_ =	swait.ge [sflag:s22], s20  }
0x9f: {  	s3 =	ssub.s32 $0x0, s20;
	[sflag:s22] =	ssyncset.done $0x0  }
0xa0: {  	[sflag:s22] =	ssyncadd.s32 s3;
	_ =	sdelay $0x1  }
0xa1: {  	s23 =	simm.s32 $0x1B8B  }
0xa2: {  	_ =	swait.ge [sflag:s23], $0x1  }
0xa3: {  	[sflag:s23] =	ssyncset.done $0x0  }
0xa4: {  	s25 =	simm.s32 $0x1B8E;
	s24 =	sld [smem:$0x3FFE];
	[sflag:s23] =	ssyncadd.s32 $0xFFFFFFFF  }
0xa5: {  	s26 =	simm.s32 $execute0_lowered;
	[smem:$0x3FD2] =	sst s25  }
0xa6: {  	s4 =	sshll.u32 s26, $0x1;
	_ =	strace $0x8000004F;
	[dreg:$0x1] =	wrdreg $0xFFFFFFFF  }
0xa7: {  	s28 =	simm.s32 $_size_execute0_lowered;
	s2 =	sadd.s32 s2, s4;
	[dreg:$0x0] =	wrdreg $0x0  }
0xa8: {  	s4 =	sshll.u32 s28, $0x1;
	[dreg:$0x2] =	wrdreg s2  }
0xa9: {  	[dreg:$0x3] =	wrdreg s4  }
0xaa: {  	[dreg:$0x4] =	wrdreg $0xC0  }
0xab: {  	_ =	task [dreg:s6], $0x5FFFF  }
0xac: {  	[dreg:$0x1] =	wrdreg $0xFFFFFFFF  }
0xad: {  	[dreg:$0x0] =	wrdreg $0x60  }
0xae: {  	[dreg:$0x2] =	wrdreg s24  }
0xaf: {  	[dreg:$0x3] =	wrdreg $0xA  }
0xb0: {  	_ =	task.clear_ibuf [dreg:s6], $0x4FFFF;
	_ =	strace $0x9000004F  }
0xb1: {  	s29 =	simm.s32 $0xA;
	_ =	strace $0x80000051  }
0xb2: {  	_ =	swait.ge [sflag:s29], $0x1  }
0xb3: {  	[sflag:s29] =	ssyncadd.s32 $0xFFFFFFFF  }
0xb4: {  	_ =	strace $0x90000051  }
0xb5: {  	_ =	sfence  }
0xb6: {  	s30 =	sld [smem:$0x0];
	_ =	sdelay $0x2  }
0xb7: {  	s31 =	sshll.u32 s1, $0xD;
	s1 =	sshrl.u32 s1, $0x2  }
0xb8: {  	s3 =	sand.u32 $0x4000, s31;
	s1 =	sadd.s32 s1, s30  }
0xb9: {  	s0 =	sor.u32 s3, s0;
	s1 =	sshll.u32 s1, $0x11  }
0xba: {  	s0 =	sor.u32 s1, s0  }
0xbb: {  	s0 =	sadd.s32 $0x8F2B, s0  }
0xbc: {  	[sflag:s0] =	ssyncadd.remote.s32 $0x1  }
0xbd: {  	_ =	sfence.sel $0xFFFF  }
0xbe: {  	[dreg:$0x0] =	wrdreg $0xFFFFFFFF;
	(pc) =	sbr.abs _section_cstart, $3  }
0xbf: {  	[dreg:$0x1] =	wrdreg $0xFFFFFFFF  }
0xc0: {  	_ =	task.clear_ibuf [dreg:s6], $0x2FFFF;
	_ =	strace $0x9FFFFFFF  }
0xc1: {  	(tm) =	ssettm $0x7FFFFFFF  }
tec
execute0_lowered:
.L_overlay_start_1:
0x0: {  	(tag) =	ssettag $0x1  }
0x1: {  	s2 =	rddreg [dreg:$0x0]  }
0x2: {  	s0 =	rddreg [dreg:$0x1]  }
0x3: {  	s1 =	srdreg.scid;
	_ =	strace $0x80000050;
	s4 =	simm.s32 $0x1  }
0x4: {  	s9 =	simm.s32 $0x3;
	s12 =	simm.s32 $0x0;
	s5 =	sshll.u32 s1, $0x4  }
.Ltmp0:
0x5: {  	s1 =	stileid.u32;
	s5 =	sand.u32 $0x10, s5;
	(pc) =	sbr.rel .LBB2_1-.Ltmp0, $4  }
0x6: {  	s10 =	simm.s32 $0x0;
	s3 =	sadd.s32 $0x4ADE00, s2;
	s6 =	sor.u32 s1, s5  }
0x7: {  	[sflag:s4] =	ssyncpa.u1 $0x0;
	s5 =	simm.s32 $0x2;
	s6 =	sshll.u32 s6, $0x6  }
0x8: {  	s7 =	sadd.s32 $0x29CE00, s2;
	[sflag:s5] =	ssyncpa.u1 $0x0;
	s8 =	sadd.s32 $0x40, s6  }
0x9: {  	vm0 =	vmmov $0xff;
	vm1 =	vcmask $0x3F20;
	[sflag:s9] =	ssyncpa.u1 $0x0;
	s9 =	simm.s32 $0x40;
	s11 =	smov.u32 s6  }
.LBB2_9:
0xa: {  	p0 =	seq.s32 s10, $0x2  }
.Ltmp1:
0xb: {  	_ = 	snop;
	(pc) =	sbr.rel @p0 .LBB2_11-.Ltmp1, $1  }
0xc: {  	_ =	sdelay $0x3  }
.LBB2_10:
0xd: {  	s12 =	sadd.s32 $0x40, s11  }
0xe: {  	s13 =	smov.u32 s6;
	p0 =	slt.s32 s12, s8  }
0xf: {  	s13 =	smov.u32 @p0 s12  }
0x10: {  	s10 =	sadd.s32 $0x1, s10;
	s12 =	smov.u32 s11;
	s11 =	smov.u32 s13  }
.LBB2_1:
0x11: {  	p0 =	sne.s32 s10, $0x0  }
.Ltmp2:
0x12: {  	_ = 	snop;
	(pc) =	sbr.rel @!p0 .LBB2_2-.Ltmp2, $1  }
0x13: {  	_ =	sdelay $0x3  }
0x14: {  	s13 =	sand.u32 $0x1, s10  }
0x15: {  	p0 =	seq.s32 s13, $0x0  }
.Ltmp3:
0x16: {  	_ = 	snop;
	(pc) =	sbr.rel @p0 .LBB2_9-.Ltmp3, $1  }
0x17: {  	_ =	sdelay $0x3  }
0x18: {  	_ =	swait.ge [sflag:s5], $0x40  }
0x19: {  	[sflag:s5] =	ssyncset.done $0x0  }
0x1a: {  	s13 =	simm.s32 $0x0;
	[sflag:s5] =	ssyncadd.s32 $0xFFFFFFC0  }
0x1b: {  	v0 =	vld.msk [tilespmem:s13+$0x40 ss:$0x1], $0xffff;
	_ =	sdelay $0x4  }
0x1c: {  	v1 =	vshll.u32 v0, $0x4  }
0x1d: {  	vm2 =	veq.s32 v0, $0x80000000;
	v0 =	vshll.u32 v0, $0x10;
	v1 =	vand.u32 $0xFF80, v1  }
0x1e: {  	v0 =	vand.u32 $0x70000, v0;
	v1 =	vsel vm2, $0xFFFFFF80, v1  }
0x1f: {  	v0 =	vsel vm2, $0xFFFF0000, v0;
	v2 =	vand.u32 $0xFFFFFC00, v1  }
0x20: {  	v1 =	vand.u32 $0x380, v1;
	v0 =	vadd.s32 v0, v2  }
0x21: {  	v0 =	vor.u32 v1, v0  }
0x22: {  	v0 =	vshrl.u32 v0, $0x3;
	_ =	sdelay $0x3  }
0x23: {  	s13 =	simm.s32 $0x2080  }
0x24: {  	[tilespmem:s13], [sflag:$0x1] =	stream.indirect_vreg.gather [hbm:s3], $0x80, v0, vm0, $0x38;
	[tilespmem:$0x4080] =	vst v63  }
0x25: {  	s14 =	simm.s32 $0x2480;
	s31 =	simm.s32 $0x10  }
0x26: {  	[tilespmem:s14], [sflag:$0x1] =	stream.indirect_vreg.gather [hbm:s3], $0x80, v0, vm1, $0x38;
	[tilespmem:$0x4080] =	vst v63  }
0x27: {  	s14 =	simm.s32 $0x80;
	v0 =	vld.msk [tilespmem:s31+$0x40 ss:$0x1], $0xffff  }
.LBB2_5:
0x28: {  	p0 =	sne.s32 s14, $0xC0;
	_ =	sdelay $0x4  }
0x29: {  	v1 =	vshll.u32 v0, $0x4  }
0x2a: {  	vm2 =	veq.s32 v0, $0x80000000;
	v0 =	vshll.u32 v0, $0x10;
	v1 =	vand.u32 $0xFF80, v1  }
0x2b: {  	v0 =	vand.u32 $0x70000, v0;
	v1 =	vsel vm2, $0xFFFFFF80, v1  }
0x2c: {  	v0 =	vsel vm2, $0xFFFF0000, v0;
	v2 =	vand.u32 $0xFFFFFC00, v1  }
0x2d: {  	v1 =	vand.u32 $0x380, v1;
	v0 =	vadd.s32 v0, v2  }
0x2e: {  	v0 =	vor.u32 v1, v0  }
0x2f: {  	v0 =	vshrl.u32 v0, $0x3;
	_ =	sdelay $0x3  }
.Ltmp4:
0x30: {  	s13 =	sadd.s32 $0x800, s13;
	(pc) =	sbr.rel @p0 .LBB2_5-.Ltmp4, $4  }
0x31: {  	[tilespmem:s13], [sflag:$0x1] =	stream.indirect_vreg.gather [hbm:s3], $0x80, v0, vm0, $0x38;
	[tilespmem:$0x4080] =	vst v63  }
0x32: {  	s15 =	sshra.s32 s14, $0x2;
	s16 =	sadd.s32 $0x400, s13  }
0x33: {  	[tilespmem:s16], [sflag:$0x1] =	stream.indirect_vreg.gather [hbm:s3], $0x80, v0, vm1, $0x38;
	[tilespmem:$0x4080] =	vst v63  }
0x34: {  	s14 =	sadd.s32 $0x40, s14;
	v0 =	vld.msk [tilespmem:s15+$0x40 ss:$0x1], $0xffff  }
0x35: {  	_ =	sdelay $0x3  }
0x36: {  	v1 =	vshll.u32 v0, $0x4  }
0x37: {  	vm2 =	veq.s32 v0, $0x80000000;
	v63 =	vshll.u32 v0, $0x10;
	v1 =	vand.u32 $0xFF80, v1  }
0x38: {  	v0 =	vand.u32 $0x70000, v63;
	v1 =	vsel vm2, $0xFFFFFF80, v1  }
0x39: {  	v0 =	vsel vm2, $0xFFFF0000, v0;
	v2 =	vand.u32 $0xFFFFFC00, v1  }
0x3a: {  	v1 =	vand.u32 $0x380, v1;
	v0 =	vadd.s32 v0, v2  }
0x3b: {  	v0 =	vor.u32 v1, v0  }
0x3c: {  	v0 =	vshrl.u32 v0, $0x3;
	_ =	sdelay $0x3  }
0x3d: {  	s13 =	sadd.s32 $0x800, s13  }
0x3e: {  	[tilespmem:s13], [sflag:$0x1] =	stream.indirect_vreg.gather [hbm:s3], $0x80, v0, vm0, $0x38;
	[tilespmem:$0x4080] =	vst v63  }
0x3f: {  	s13 =	sadd.s32 $0x400, s13  }
0x40: {  	[tilespmem:s13], [sflag:$0x1] =	stream.indirect_vreg.gather [hbm:s3], $0x80, v0, vm1, $0x38;
	[tilespmem:$0x4080] =	vst v63  }
0x41: {  	s12 =	sshll.u32 s12, $0x4;
	s14 =	simm.s32 $0x80;
	_ =	swait.ge [sflag:s4], $0x2000  }
0x42: {  	s15 =	simm.s32 $0x2480;
	s12 =	sadd.s32 s12, s2;
	[sflag:s4] =	ssyncset.done $0x0  }
0x43: {  	s16 =	sadd.s32 $0x0, s12;
	s13 =	simm.s32 $0x2080;
	[sflag:s4] =	ssyncadd.s32 $0xFFFFE000  }
.LBB2_7:
0x44: {  	[hbm:s16] =	stream.linear.scatter [tilespmem:s13], [sflag:$0x3], $0x400, $0x38;
	[tilespmem:$0x4080] =	vst v63  }
0x45: {  	s16 =	smov.u32 s14;
	s13 =	smov.u32 s15;
	p0 =	sne.s32 s14, $0x380  }
.Ltmp5:
0x46: {  	s14 =	sadd.s32 $0x80, s14;
	(pc) =	sbr.rel @p0 .LBB2_7-.Ltmp5, $2  }
0x47: {  	_ =	sdelay $0x2  }
0x48: {  	s15 =	sadd.s32 $0x400, s15;
	s16 =	sadd.s32 s16, s12  }
.Ltmp6:
0x49: {  	(pc) =	sbr.rel .LBB2_9-.Ltmp6, $2  }
0x4a: {  	_ =	sdelay $0x2  }
0x4b: {  	[hbm:s16] =	stream.linear.scatter [tilespmem:s13], [sflag:$0x3], $0x400, $0x38;
	[tilespmem:$0x4080] =	vst v63  }
.LBB2_2:
.Ltmp7:
0x4c: {  	(pc) =	sbr.rel .LBB2_10-.Ltmp7, $4  }
0x4d: {  	_ = 	snop  }
0x4e: {  	s12 =	sshrl.u32 s11, $0x3  }
0x4f: {  	s13 =	sand.u32 $0x7, s11;
	s12 =	sadd.s32 s7, s12  }
0x50: {  	[tilespmem:s9], [sflag:$0x2] =	stream.linear.gather [hbm4b:s12+s13], $0x40, $0x38;
	[tilespmem:$0x4080] =	vst v63  }
.LBB2_11:
0x51: {  	s2 =	simm.s32 $0x3  }
0x52: {  	_ =	swait.ge [sflag:s2], $0x2000  }
0x53: {  	[sflag:s2] =	ssyncset.done $0x0  }
0x54: {  	[sflag:s2] =	ssyncadd.s32 $0xFFFFE000  }
0x55: {  	_ =	sfence.sel $0x180000  }
0x56: {  	s3 =	simm.s32 $0x2;
	[bflag:$0x0] =	sbarrier.arrive $0xFFFF  }
0x57: {  	[sflag:s3] =	ssyncpa.u1 $0x1  }
0x58: {  	s31 =	simm.s32 $0x1;
	[sflag:s2] =	ssyncpa.u1 $0x1  }
0x59: {  	[sflag:s31] =	ssyncpa.u1 $0x1  }
0x5a: {  	p0 =	sne.s32 s1, $0x0;
	_ =	strace $0x90000050  }
0x5b: {  	s0 =	sadd.s32 @!p0 $0x100000, s0;
	[bflag:$0x2] =	sbarrier.arrive $0xFFFF  }
0x5c: {  	[sflag:s0] =	ssyncadd.tile.s32 @!p0 $0x1;
	_ =	shalt  }
.Lfunc_end2:
_tile_overlayer_lowered:
.L_overlay_start_2:
0x5d: {  	(tag) =	ssettag $0x2  }
0x5e: {  	s0 =	rddreg [dreg:$0x0];
	s2 =	stileid.u32  }
0x5f: {  	s1 =	rddreg [dreg:$0x1];
	p0 =	sne.s32 s2, $0x0  }
0x60: {  	s3 =	rddreg [dreg:$0x2];
	[bflag:$0x3] =	sbarrier.arrive $0xFFFF;
	s2 =	simm.s32 @!p0 $0x1C01  }
0x61: {  	[timem:s3], [sflag:s2] =	dma.local @!p0 [hbm:s0], s1  }
0x62: {  	s0 =	simm.s32 @!p0 $0x1  }
0x63: {  	_ =	swait.ge @!p0 [sflag:s0], s1  }
0x64: {  	s1 =	ssub.s32 @!p0 $0x0, s1;
	[sflag:s0] =	ssyncset.done @!p0 $0x0  }
0x65: {  	[sflag:s0] =	ssyncadd.s32 @!p0 s1  }
0x66: {  	[bflag:$0x3] =	sbarrier.arrive $0xFFFF  }
0x67: {  	_ =	shalt  }

// kernel: gather_offload_async_start.2
scs
__scs_entry_jumppad:
0x0: {  	(pc) =	sbr.rel $0x88, $3  }
0x1: {  	(tag) =	ssettag $0x0;
	lr =	simm.s32 $0x1  }
0x2: {  	[smem:$0x3F55] =	sst lr;
	_ =	strace $0xD0000000  }
0x3: {  	_ = 	snop  }
0x4: {  	_ = 	snop  }
0x5: {  	_ = 	snop  }
0x6: {  	_ = 	snop  }
0x7: {  	_ = 	snop  }
__scs_overlays_trampoline_lowered:
0x8: {  	[smem:$0x3F64] =	sst s0  }
0x9: {  	[smem:$0x3F65] =	sst s1  }
0xa: {  	[smem:$0x3F66] =	sst s2  }
0xb: {  	[smem:$0x3F67] =	sst s3  }
0xc: {  	[smem:$0x3F68] =	sst s4  }
0xd: {  	[smem:$0x3F69] =	sst s5  }
0xe: {  	[smem:$0x3F6A] =	sst s6  }
0xf: {  	[smem:$0x3F6B] =	sst s7  }
0x10: {  	[smem:$0x3F6C] =	sst s8  }
0x11: {  	[smem:$0x3F6D] =	sst s9;
	s0 =	simm.s32 @!p0 $0x0  }
0x12: {  	s1 =	sld [smem:$0x3F53];
	s0 =	simm.s32 @p0 $0x1  }
0x13: {  	[smem:$0x3F6E] =	sst s0;
	s0 =	simm.s32 @!p1 $0x0  }
0x14: {  	s2 =	sld [smem:$0x3F52];
	s0 =	simm.s32 @p1 $0x1  }
0x15: {  	[smem:$0x3F6F] =	sst s0;
	s0 =	simm.s32 @!p2 $0x0  }
0x16: {  	s3 =	sld [smem:$0x3FDB];
	s0 =	simm.s32 @p2 $0x1  }
0x17: {  	s4 =	simm.s32 $0x1BF5;
	[smem:$0x3F71] =	sst s0  }
0x18: {  	s0 =	sld [smem:$0x3F54];
	_ =	swait.ge [sflag:s4], $0x0  }
0x19: {  	s7 =	sld [smem:$0x3F55]  }
0x1a: {  	s8 =	sadd.s32 $0xFFFFE003, lr  }
0x1b: {  	s9 =	sadd.s32 $0xFFFFFEF7, lr;
	s5 =	simm.s32 $0xFFFFFFFF;
	p2 =	slt.u32 s8, $0xFFFFF086  }
0x1c: {  	p1 =	slt.u32 s9, $0xF7A;
	s5 =	simm.s32 @!p2 $0x0  }
0x1d: {  	s5 =	simm.s32 @p1 $0x1;
	p0 =	seq.s32 s7, s2  }
0x1e: {  	s7 =	smul.u32 @!p0 $0xF7A, s2;
	p2 =	seq.s32 @!p0 s5, $0x0  }
0x1f: {  	s9 =	smul.u32 $0xF7A, s1;
	s8 =	simm.s32 @!p0 $0x1BF5;
	p2 =	por !p2, p0  }
0x20: {  	[sflag:s8] =	ssyncset.s32 @!p0 $0xFFFFF086;
	s6 =	sadd.s32 @!p0 s3, s7;
	s7 =	simm.s32 @!p0 $0x108  }
0x21: {  	s3 =	sadd.s32 s3, s9;
	s6 =	sadd.s32 @!p0 $0x88, s6;
	s7 =	simm.s32 @p2 $0x1082  }
0x22: {  	[simem:s7], [sflag:s8] =	dma.local @!p0 [hbm:s6], $0xF7A  }
0x23: {  	s9 =	sor.u32 $0xD0000000, s2;
	s6 =	simm.s32 $0x108;
	_ =	swait.ge @!p0 [sflag:s8], $0x0  }
0x24: {  	s3 =	sadd.s32 $0x88, s3;
	s6 =	simm.s32 @!p1 $0x1082;
	[sflag:s4] =	ssyncset.s32 $0xFFFFF086  }
0x25: {  	[simem:s6], [sflag:s4] =	dma.local [hbm:s3], $0xF7A  }
0x26: {  	[smem:$0x3F55] =	sst s1;
	(tag) =	ssettag s2;
	_ =	strace s9  }
0x27: {  	s1 =	sld [smem:$0x3F65]  }
0x28: {  	s2 =	sld [smem:$0x3F66]  }
0x29: {  	s4 =	sld [smem:$0x3F68]  }
0x2a: {  	p0 =	seq.s32 s5, $0x0;
	s5 =	sld [smem:$0x3F69]  }
0x2b: {  	s6 =	sld [smem:$0x3F6A]  }
0x2c: {  	s7 =	sld [smem:$0x3F6B]  }
0x2d: {  	s3 =	simm.s32 $0x108;
	s8 =	sld [smem:$0x3F6C]  }
0x2e: {  	s3 =	simm.s32 @!p0 $0x1082;
	s9 =	sld [smem:$0x3F6D]  }
0x2f: {  	lr =	sadd.s32 s0, s3;
	s0 =	sld [smem:$0x3F64]  }
0x30: {  	s3 =	sld [smem:$0x3F67]  }
0x31: {  	[smem:$0x3F70] =	sst s10  }
0x32: {  	s10 =	sld [smem:$0x3F6E];
	_ =	sdelay $0x3  }
0x33: {  	p0 =	seq.s32 s10, $0x1;
	s10 =	sld [smem:$0x3F70];
	_ =	sdelay $0x3  }
0x34: {  	[smem:$0x3F70] =	sst s10  }
0x35: {  	s10 =	sld [smem:$0x3F6F];
	_ =	sdelay $0x3  }
0x36: {  	p1 =	seq.s32 s10, $0x1;
	s10 =	sld [smem:$0x3F70];
	_ =	sdelay $0x3  }
0x37: {  	[smem:$0x3F70] =	sst s10  }
0x38: {  	s10 =	sld [smem:$0x3F71]  }
0x39: {  	_ = 	snop;
	(pc) =	sbr.ind lr, $3  }
0x3a: {  	_ = 	snop  }
0x3b: {  	_ = 	snop  }
0x3c: {  	p2 =	seq.s32 s10, $0x1;
	s10 =	sld [smem:$0x3F70]  }
0x3d: {  	_ =	shalt  }
0x3e: {  	_ =	shalt  }
0x3f: {  	_ =	shalt  }
0x40: {  	_ =	shalt  }
0x41: {  	_ =	shalt  }
0x42: {  	_ =	shalt  }
0x43: {  	_ =	shalt  }
0x44: {  	_ =	shalt  }
0x45: {  	_ =	shalt  }
0x46: {  	_ =	shalt  }
0x47: {  	_ =	shalt  }
0x48: {  	_ =	shalt  }
0x49: {  	_ =	shalt  }
0x4a: {  	_ =	shalt  }
0x4b: {  	_ =	shalt  }
0x4c: {  	_ =	shalt  }
0x4d: {  	_ =	shalt  }
0x4e: {  	_ =	shalt  }
0x4f: {  	_ =	shalt  }
0x50: {  	_ =	shalt  }
0x51: {  	_ =	shalt  }
0x52: {  	_ =	shalt  }
0x53: {  	_ =	shalt  }
0x54: {  	_ =	shalt  }
0x55: {  	_ =	shalt  }
0x56: {  	_ =	shalt  }
0x57: {  	_ =	shalt  }
0x58: {  	_ =	shalt  }
0x59: {  	_ =	shalt  }
0x5a: {  	_ =	shalt  }
0x5b: {  	_ =	shalt  }
0x5c: {  	_ =	shalt  }
0x5d: {  	_ =	shalt  }
0x5e: {  	_ =	shalt  }
0x5f: {  	_ =	shalt  }
0x60: {  	_ =	shalt  }
0x61: {  	_ =	shalt  }
0x62: {  	_ =	shalt  }
0x63: {  	_ =	shalt  }
0x64: {  	_ =	shalt  }
0x65: {  	_ =	shalt  }
0x66: {  	_ =	shalt  }
0x67: {  	_ =	shalt  }
0x68: {  	_ =	shalt  }
0x69: {  	_ =	shalt  }
0x6a: {  	_ =	shalt  }
0x6b: {  	_ =	shalt  }
0x6c: {  	_ =	shalt  }
0x6d: {  	_ =	shalt  }
0x6e: {  	_ =	shalt  }
0x6f: {  	_ =	shalt  }
0x70: {  	_ =	shalt  }
0x71: {  	_ =	shalt  }
0x72: {  	_ =	shalt  }
0x73: {  	_ =	shalt  }
0x74: {  	_ =	shalt  }
0x75: {  	_ =	shalt  }
0x76: {  	_ =	shalt  }
0x77: {  	_ =	shalt  }
0x78: {  	_ =	shalt  }
0x79: {  	_ =	shalt  }
0x7a: {  	_ =	shalt  }
0x7b: {  	_ =	shalt  }
0x7c: {  	_ =	shalt  }
0x7d: {  	_ =	shalt  }
0x7e: {  	_ =	shalt  }
0x7f: {  	_ =	shalt  }
0x80: {  	_ =	shalt  }
0x81: {  	_ =	shalt  }
0x82: {  	_ =	shalt  }
0x83: {  	_ =	shalt  }
0x84: {  	_ =	shalt  }
0x85: {  	_ =	shalt  }
0x86: {  	_ =	shalt  }
0x87: {  	_ =	shalt  }
.Lfunc_end0:
.L_simem_size_0:
called_computation.5_lowered:
.L_overlay_start_0:
0x88: {  	s2 =	sld [smem:$0x3FD9]  }
0x89: {  	s3 =	sld [smem:$0x3FFE];
	_ =	sdelay $0x1  }
0x8a: {  	s1 =	srdreg.scid  }
0x8b: {  	s0 =	sand.u32 $0x1, s1  }
0x8c: {  	s17 =	sshll.u32 s0, $0xA;
	s2 =	sadd.s32 s3, s2  }
0x8d: {  	s2 =	sadd.s32 s2, s17  }
0x8e: {  	[smem:$0x3F7C] =	sst s2  }
0x8f: {  	_ = 	snop  }
0x90: {  	(tm) =	ssettm $0x1  }
0x91: {  	s18 =	sld [smem:$0x3FFB];
	_ =	sdelay $0x3  }
0x92: {  	_ =	strace s18  }
0x93: {  	s2 =	sld [smem:$0x3FFC];
	_ =	sdelay $0x3  }
0x94: {  	_ =	strace s2  }
0x95: {  	s2 =	sld [smem:$0x3FFD];
	_ =	sdelay $0x3  }
0x96: {  	_ =	strace s2  }
0x97: {  	_ =	strace $0x8FFFFFFF  }
0x98: {  	s19 =	sld [smem:$0x3FDB];
	_ =	sdelay $0x1  }
0x99: {  	s20 =	simm.s32 $_scs_section_size  }
0x9a: {  	s4 =	simm.s32 $_size__tile_overlayer_lowered;
	s5 =	simm.s32 $_tile_overlayer_lowered  }
0x9b: {  	s6 =	simm.s32 $0x1BFF;
	s21 =	sshll.u32 s5, $0x1;
	s3 =	sadd.s32 s20, s19  }
0x9c: {  	s22 =	simm.s32 $0x0;
	s4 =	sshll.u32 s4, $0x1;
	s5 =	sadd.s32 s21, s3  }
0x9d: {  	[timem:s22], [sflag:s6] =	dma.local [hbm:s5], s4  }
0x9e: {  	_ =	swait.ge [sflag:s6], s4  }
0x9f: {  	s4 =	ssub.s32 $0x0, s4;
	[sflag:s6] =	ssyncset.done $0x0  }
0xa0: {  	[sflag:s6] =	ssyncadd.s32 s4;
	_ =	sdelay $0x1  }
0xa1: {  	s23 =	simm.s32 $0x1B8B  }
0xa2: {  	_ =	swait.ge [sflag:s23], $0x1  }
0xa3: {  	[sflag:s23] =	ssyncset.done $0x0  }
0xa4: {  	[sflag:s23] =	ssyncadd.s32 $0xFFFFFFFF  }
0xa5: {  	s4 =	sld [smem:$0x0]  }
0xa6: {  	s5 =	sand.u32 $0xFFFFFFFE, s1  }
0xa7: {  	p0 =	sne.s32 s1, s5  }
0xa8: {  	s5 =	sshll.u32 @p0 s5, $0xE  }
0xa9: {  	s5 =	sadd.s32 @p0 $0x11B8D, s5;
	s6 =	sshll.u32 @p0 s4, $0x11  }
0xaa: {  	s5 =	sor.u32 @p0 s6, s5  }
0xab: {  	[sflag:s5] =	ssyncadd.remote.s32 @p0 $0x1;
	_ =	sdelay $0x1  }
0xac: {  	s5 =	simm.s32 @p0 $0x1B8D  }
0xad: {  	_ =	swait.eq @p0 [sflag:s5], $0x1  }
0xae: {  	[sflag:s5] =	ssyncadd.s32 @p0 $0xFFFFFFFF  }
0xaf: {  	s6 =	sshll.u32 @!p0 s1, $0xE  }
0xb0: {  	s6 =	sor.u32 @!p0 $0x4000, s6;
	s5 =	simm.s32 @!p0 $0x1B8D  }
0xb1: {  	s4 =	sshll.u32 @!p0 s4, $0x11;
	s6 =	sadd.s32 @!p0 $0x11B8D, s6;
	_ =	swait.eq @!p0 [sflag:s5], $0x1  }
0xb2: {  	s4 =	sor.u32 @!p0 s4, s6;
	[sflag:s5] =	ssyncadd.s32 @!p0 $0xFFFFFFFF  }
0xb3: {  	s25 =	simm.s32 $0x1B8E;
	s24 =	sld [smem:$0x3FFE];
	[sflag:s4] =	ssyncadd.remote.s32 @!p0 $0x1  }
0xb4: {  	s26 =	simm.s32 $execute0_lowered;
	[smem:$0x3FD2] =	sst s25  }
0xb5: {  	s5 =	sshll.u32 s26, $0x1;
	_ =	strace $0x80000052;
	[dreg:$0x1] =	wrdreg $0xFFFFFFFF  }
0xb6: {  	s28 =	simm.s32 $_size_execute0_lowered;
	s3 =	sadd.s32 s3, s5;
	[dreg:$0x0] =	wrdreg $0x0  }
0xb7: {  	s5 =	sshll.u32 s28, $0x1;
	[dreg:$0x2] =	wrdreg s3  }
0xb8: {  	[dreg:$0x3] =	wrdreg s5  }
0xb9: {  	[dreg:$0x4] =	wrdreg $0xC0  }
0xba: {  	_ =	task [dreg:s22], $0x5FFFF  }
0xbb: {  	[dreg:$0x1] =	wrdreg $0xFFFFFFFF  }
0xbc: {  	[dreg:$0x0] =	wrdreg $0x60  }
0xbd: {  	[dreg:$0x2] =	wrdreg s24  }
0xbe: {  	[dreg:$0x3] =	wrdreg $0xB  }
0xbf: {  	_ =	task.clear_ibuf [dreg:s22], $0x4FFFF;
	_ =	strace $0x90000052  }
0xc0: {  	s29 =	simm.s32 $0xB;
	_ =	strace $0x80000054  }
0xc1: {  	_ =	swait.ge [sflag:s29], $0x1  }
0xc2: {  	[sflag:s29] =	ssyncadd.s32 $0xFFFFFFFF  }
0xc3: {  	_ =	strace $0x90000054  }
0xc4: {  	_ =	sfence  }
0xc5: {  	s30 =	sld [smem:$0x0];
	_ =	sdelay $0x2  }
0xc6: {  	s31 =	sshll.u32 s1, $0xD;
	s1 =	sshrl.u32 s1, $0x2  }
0xc7: {  	s4 =	sand.u32 $0x4000, s31;
	s1 =	sadd.s32 s1, s30  }
0xc8: {  	s0 =	sor.u32 s4, s0;
	s1 =	sshll.u32 s1, $0x11  }
0xc9: {  	s0 =	sor.u32 s1, s0  }
0xca: {  	s0 =	sadd.s32 $0x8F2B, s0  }
0xcb: {  	[sflag:s0] =	ssyncadd.remote.s32 $0x1  }
0xcc: {  	_ =	sfence.sel $0xFFFF  }
0xcd: {  	[dreg:$0x0] =	wrdreg $0xFFFFFFFF;
	(pc) =	sbr.abs _section_cstart, $3  }
0xce: {  	[dreg:$0x1] =	wrdreg $0xFFFFFFFF  }
0xcf: {  	_ =	task.clear_ibuf [dreg:s22], $0x2FFFF;
	_ =	strace $0x9FFFFFFF  }
0xd0: {  	(tm) =	ssettm $0x7FFFFFFF  }
0xd1: {  	_ =	shalt  }
tec
execute0_lowered:
.L_overlay_start_1:
0x0: {  	(tag) =	ssettag $0x1  }
0x1: {  	s7 =	rddreg [dreg:$0x0]  }
0x2: {  	s0 =	rddreg [dreg:$0x1];
	_ =	strace $0x80000053  }
0x3: {  	s1 =	srdreg.scid;
	s4 =	simm.s32 $0x1;
	s9 =	simm.s32 $0x3  }
0x4: {  	s12 =	simm.s32 $0x0;
	s10 =	simm.s32 $0x0;
	s5 =	sshll.u32 s1, $0x4  }
.Ltmp0:
0x5: {  	s1 =	stileid.u32;
	s5 =	sand.u32 $0x10, s5;
	(pc) =	sbr.rel .LBB2_1-.Ltmp0, $4  }
0x6: {  	s2 =	sadd.s32 $0x8000, s7;
	s3 =	sadd.s32 $0x9CA00, s7;
	s6 =	sor.u32 s1, s5  }
0x7: {  	[sflag:s4] =	ssyncpa.u1 $0x0;
	s5 =	simm.s32 $0x2;
	s6 =	sshll.u32 s6, $0x7  }
0x8: {  	s7 =	sadd.s32 $0x28000, s7;
	[sflag:s5] =	ssyncpa.u1 $0x0;
	s8 =	sadd.s32 $0x80, s6  }
0x9: {  	vm0 =	vmmov $0xff;
	vm1 =	vcmask $0x3F20;
	[sflag:s9] =	ssyncpa.u1 $0x0;
	s9 =	simm.s32 $0x80;
	s11 =	smov.u32 s6  }
.LBB2_9:
0xa: {  	p0 =	seq.s32 s10, $0x2  }
.Ltmp1:
0xb: {  	_ = 	snop;
	(pc) =	sbr.rel @p0 .LBB2_11-.Ltmp1, $1  }
0xc: {  	_ =	sdelay $0x3  }
.LBB2_10:
0xd: {  	s12 =	sadd.s32 $0x80, s11  }
0xe: {  	s13 =	smov.u32 s6;
	p0 =	slt.s32 s12, s8  }
0xf: {  	s13 =	smov.u32 @p0 s12  }
0x10: {  	s10 =	sadd.s32 $0x1, s10;
	s12 =	smov.u32 s11;
	s11 =	smov.u32 s13  }
.LBB2_1:
0x11: {  	p0 =	sne.s32 s10, $0x0  }
.Ltmp2:
0x12: {  	_ = 	snop;
	(pc) =	sbr.rel @!p0 .LBB2_2-.Ltmp2, $1  }
0x13: {  	_ =	sdelay $0x3  }
0x14: {  	s13 =	sand.u32 $0x1, s10  }
0x15: {  	p0 =	seq.s32 s13, $0x0  }
.Ltmp3:
0x16: {  	_ = 	snop;
	(pc) =	sbr.rel @p0 .LBB2_9-.Ltmp3, $1  }
0x17: {  	_ =	sdelay $0x3  }
0x18: {  	_ =	swait.ge [sflag:s5], $0x80  }
0x19: {  	[sflag:s5] =	ssyncset.done $0x0  }
0x1a: {  	s13 =	simm.s32 $0x0;
	[sflag:s5] =	ssyncadd.s32 $0xFFFFFF80  }
0x1b: {  	v0 =	vld.msk [tilespmem:s13+$0x80 ss:$0x1], $0xffff;
	_ =	sdelay $0x4  }
0x1c: {  	v1 =	vshll.u32 v0, $0x4  }
0x1d: {  	vm2 =	veq.s32 v0, $0x80000000;
	v0 =	vshll.u32 v0, $0x11;
	v1 =	vand.u32 $0x1FF80, v1  }
0x1e: {  	v0 =	vand.u32 $0xE0000, v0;
	v1 =	vsel vm2, $0xFFFFFF80, v1  }
0x1f: {  	v0 =	vsel vm2, $0xFFFE0000, v0;
	v2 =	vand.u32 $0xFFFFFC00, v1  }
0x20: {  	v1 =	vand.u32 $0x380, v1;
	v0 =	vadd.s32 v0, v2  }
0x21: {  	v0 =	vor.u32 v1, v0  }
0x22: {  	v0 =	vshrl.u32 v0, $0x3;
	_ =	sdelay $0x3  }
0x23: {  	s13 =	simm.s32 $0x4100  }
0x24: {  	[tilespmem:s13], [sflag:$0x1] =	stream.indirect_vreg.gather [hbm:s2], $0x80, v0, vm0, $0x38;
	[tilespmem:$0x8100] =	vst v63  }
0x25: {  	s14 =	simm.s32 $0x4500;
	s31 =	simm.s32 $0x10  }
0x26: {  	[tilespmem:s14], [sflag:$0x1] =	stream.indirect_vreg.gather [hbm:s2], $0x80, v0, vm1, $0x38;
	[tilespmem:$0x8100] =	vst v63  }
0x27: {  	s14 =	simm.s32 $0x80;
	v0 =	vld.msk [tilespmem:s31+$0x80 ss:$0x1], $0xffff  }
.LBB2_5:
0x28: {  	p0 =	sne.s32 s14, $0x1C0;
	_ =	sdelay $0x4  }
0x29: {  	v1 =	vshll.u32 v0, $0x4  }
0x2a: {  	vm2 =	veq.s32 v0, $0x80000000;
	v0 =	vshll.u32 v0, $0x11;
	v1 =	vand.u32 $0x1FF80, v1  }
0x2b: {  	v0 =	vand.u32 $0xE0000, v0;
	v1 =	vsel vm2, $0xFFFFFF80, v1  }
0x2c: {  	v0 =	vsel vm2, $0xFFFE0000, v0;
	v2 =	vand.u32 $0xFFFFFC00, v1  }
0x2d: {  	v1 =	vand.u32 $0x380, v1;
	v0 =	vadd.s32 v0, v2  }
0x2e: {  	v0 =	vor.u32 v1, v0  }
0x2f: {  	v0 =	vshrl.u32 v0, $0x3;
	_ =	sdelay $0x3  }
.Ltmp4:
0x30: {  	s13 =	sadd.s32 $0x800, s13;
	(pc) =	sbr.rel @p0 .LBB2_5-.Ltmp4, $4  }
0x31: {  	[tilespmem:s13], [sflag:$0x1] =	stream.indirect_vreg.gather [hbm:s2], $0x80, v0, vm0, $0x38;
	[tilespmem:$0x8100] =	vst v63  }
0x32: {  	s15 =	sshra.s32 s14, $0x2;
	s16 =	sadd.s32 $0x400, s13  }
0x33: {  	[tilespmem:s16], [sflag:$0x1] =	stream.indirect_vreg.gather [hbm:s2], $0x80, v0, vm1, $0x38;
	[tilespmem:$0x8100] =	vst v63  }
0x34: {  	s14 =	sadd.s32 $0x40, s14;
	v0 =	vld.msk [tilespmem:s15+$0x80 ss:$0x1], $0xffff  }
0x35: {  	_ =	sdelay $0x3  }
0x36: {  	v1 =	vshll.u32 v0, $0x4  }
0x37: {  	vm2 =	veq.s32 v0, $0x80000000;
	v63 =	vshll.u32 v0, $0x11;
	v1 =	vand.u32 $0x1FF80, v1  }
0x38: {  	v0 =	vand.u32 $0xE0000, v63;
	v1 =	vsel vm2, $0xFFFFFF80, v1  }
0x39: {  	v0 =	vsel vm2, $0xFFFE0000, v0;
	v2 =	vand.u32 $0xFFFFFC00, v1  }
0x3a: {  	v1 =	vand.u32 $0x380, v1;
	v0 =	vadd.s32 v0, v2  }
0x3b: {  	v0 =	vor.u32 v1, v0  }
0x3c: {  	v0 =	vshrl.u32 v0, $0x3;
	_ =	sdelay $0x3  }
0x3d: {  	s13 =	sadd.s32 $0x800, s13  }
0x3e: {  	[tilespmem:s13], [sflag:$0x1] =	stream.indirect_vreg.gather [hbm:s2], $0x80, v0, vm0, $0x38;
	[tilespmem:$0x8100] =	vst v63  }
0x3f: {  	s13 =	sadd.s32 $0x400, s13  }
0x40: {  	[tilespmem:s13], [sflag:$0x1] =	stream.indirect_vreg.gather [hbm:s2], $0x80, v0, vm1, $0x38;
	[tilespmem:$0x8100] =	vst v63  }
0x41: {  	s12 =	sshll.u32 s12, $0x4;
	s14 =	simm.s32 $0x80;
	_ =	swait.ge [sflag:s4], $0x4000  }
0x42: {  	s15 =	simm.s32 $0x4500;
	s12 =	sadd.s32 s12, s7;
	[sflag:s4] =	ssyncset.done $0x0  }
0x43: {  	s16 =	sadd.s32 $0x0, s12;
	s13 =	simm.s32 $0x4100;
	[sflag:s4] =	ssyncadd.s32 $0xFFFFC000  }
.LBB2_7:
0x44: {  	[hbm:s16] =	stream.linear.scatter [tilespmem:s13], [sflag:$0x3], $0x400, $0x38;
	[tilespmem:$0x8100] =	vst v63  }
0x45: {  	s16 =	smov.u32 s14;
	s13 =	smov.u32 s15;
	p0 =	sne.s32 s14, $0x780  }
.Ltmp5:
0x46: {  	s14 =	sadd.s32 $0x80, s14;
	(pc) =	sbr.rel @p0 .LBB2_7-.Ltmp5, $2  }
0x47: {  	_ =	sdelay $0x2  }
0x48: {  	s15 =	sadd.s32 $0x400, s15;
	s16 =	sadd.s32 s16, s12  }
.Ltmp6:
0x49: {  	(pc) =	sbr.rel .LBB2_9-.Ltmp6, $2  }
0x4a: {  	_ =	sdelay $0x2  }
0x4b: {  	[hbm:s16] =	stream.linear.scatter [tilespmem:s13], [sflag:$0x3], $0x400, $0x38;
	[tilespmem:$0x8100] =	vst v63  }
.LBB2_2:
.Ltmp7:
0x4c: {  	(pc) =	sbr.rel .LBB2_10-.Ltmp7, $4  }
0x4d: {  	_ = 	snop  }
0x4e: {  	s12 =	sshrl.u32 s11, $0x3  }
0x4f: {  	s13 =	sand.u32 $0x7, s11;
	s12 =	sadd.s32 s3, s12  }
0x50: {  	[tilespmem:s9], [sflag:$0x2] =	stream.linear.gather [hbm4b:s12+s13], $0x80, $0x38;
	[tilespmem:$0x8100] =	vst v63  }
.LBB2_11:
0x51: {  	s2 =	simm.s32 $0x3  }
0x52: {  	_ =	swait.ge [sflag:s2], $0x4000  }
0x53: {  	[sflag:s2] =	ssyncset.done $0x0  }
0x54: {  	[sflag:s2] =	ssyncadd.s32 $0xFFFFC000  }
0x55: {  	_ =	sfence.sel $0x180000  }
0x56: {  	s3 =	simm.s32 $0x2;
	[bflag:$0x0] =	sbarrier.arrive $0xFFFF  }
0x57: {  	[sflag:s3] =	ssyncpa.u1 $0x1  }
0x58: {  	s31 =	simm.s32 $0x1;
	[sflag:s2] =	ssyncpa.u1 $0x1  }
0x59: {  	[sflag:s31] =	ssyncpa.u1 $0x1  }
0x5a: {  	p0 =	sne.s32 s1, $0x0;
	_ =	strace $0x90000053  }
0x5b: {  	s0 =	sadd.s32 @!p0 $0x100000, s0;
	[bflag:$0x2] =	sbarrier.arrive $0xFFFF  }
0x5c: {  	[sflag:s0] =	ssyncadd.tile.s32 @!p0 $0x1;
	_ =	shalt  }
.Lfunc_end2:
_tile_overlayer_lowered:
.L_overlay_start_2:
0x5d: {  	(tag) =	ssettag $0x2  }
0x5e: {  	s0 =	rddreg [dreg:$0x0];
	s2 =	stileid.u32  }
0x5f: {  	s1 =	rddreg [dreg:$0x1];
	p0 =	sne.s32 s2, $0x0  }
0x60: {  	s3 =	rddreg [dreg:$0x2];
	[bflag:$0x3] =	sbarrier.arrive $0xFFFF;
	s2 =	simm.s32 @!p0 $0x1C01  }
0x61: {  	[timem:s3], [sflag:s2] =	dma.local @!p0 [hbm:s0], s1  }
0x62: {  	s0 =	simm.s32 @!p0 $0x1  }
0x63: {  	_ =	swait.ge @!p0 [sflag:s0], s1  }
0x64: {  	s1 =	ssub.s32 @!p0 $0x0, s1;
	[sflag:s0] =	ssyncset.done @!p0 $0x0  }
0x65: {  	[sflag:s0] =	ssyncadd.s32 @!p0 s1  }
0x66: {  	[bflag:$0x3] =	sbarrier.arrive $0xFFFF  }
0x67: {  	_ =	shalt  }

// kernel: gather_offload_async_start.3
scs
__scs_entry_jumppad:
0x0: {  	(pc) =	sbr.rel $0x88, $3  }
0x1: {  	(tag) =	ssettag $0x0;
	lr =	simm.s32 $0x1  }
0x2: {  	[smem:$0x3F55] =	sst lr;
	_ =	strace $0xD0000000  }
0x3: {  	_ = 	snop  }
0x4: {  	_ = 	snop  }
0x5: {  	_ = 	snop  }
0x6: {  	_ = 	snop  }
0x7: {  	_ = 	snop  }
__scs_overlays_trampoline_lowered:
0x8: {  	[smem:$0x3F64] =	sst s0  }
0x9: {  	[smem:$0x3F65] =	sst s1  }
0xa: {  	[smem:$0x3F66] =	sst s2  }
0xb: {  	[smem:$0x3F67] =	sst s3  }
0xc: {  	[smem:$0x3F68] =	sst s4  }
0xd: {  	[smem:$0x3F69] =	sst s5  }
0xe: {  	[smem:$0x3F6A] =	sst s6  }
0xf: {  	[smem:$0x3F6B] =	sst s7  }
0x10: {  	[smem:$0x3F6C] =	sst s8  }
0x11: {  	[smem:$0x3F6D] =	sst s9;
	s0 =	simm.s32 @!p0 $0x0  }
0x12: {  	s1 =	sld [smem:$0x3F53];
	s0 =	simm.s32 @p0 $0x1  }
0x13: {  	[smem:$0x3F6E] =	sst s0;
	s0 =	simm.s32 @!p1 $0x0  }
0x14: {  	s2 =	sld [smem:$0x3F52];
	s0 =	simm.s32 @p1 $0x1  }
0x15: {  	[smem:$0x3F6F] =	sst s0;
	s0 =	simm.s32 @!p2 $0x0  }
0x16: {  	s3 =	sld [smem:$0x3FDB];
	s0 =	simm.s32 @p2 $0x1  }
0x17: {  	s4 =	simm.s32 $0x1BF5;
	[smem:$0x3F71] =	sst s0  }
0x18: {  	s0 =	sld [smem:$0x3F54];
	_ =	swait.ge [sflag:s4], $0x0  }
0x19: {  	s7 =	sld [smem:$0x3F55]  }
0x1a: {  	s8 =	sadd.s32 $0xFFFFE003, lr  }
0x1b: {  	s9 =	sadd.s32 $0xFFFFFEF7, lr;
	s5 =	simm.s32 $0xFFFFFFFF;
	p2 =	slt.u32 s8, $0xFFFFF086  }
0x1c: {  	p1 =	slt.u32 s9, $0xF7A;
	s5 =	simm.s32 @!p2 $0x0  }
0x1d: {  	s5 =	simm.s32 @p1 $0x1;
	p0 =	seq.s32 s7, s2  }
0x1e: {  	s7 =	smul.u32 @!p0 $0xF7A, s2;
	p2 =	seq.s32 @!p0 s5, $0x0  }
0x1f: {  	s9 =	smul.u32 $0xF7A, s1;
	s8 =	simm.s32 @!p0 $0x1BF5;
	p2 =	por !p2, p0  }
0x20: {  	[sflag:s8] =	ssyncset.s32 @!p0 $0xFFFFF086;
	s6 =	sadd.s32 @!p0 s3, s7;
	s7 =	simm.s32 @!p0 $0x108  }
0x21: {  	s3 =	sadd.s32 s3, s9;
	s6 =	sadd.s32 @!p0 $0x88, s6;
	s7 =	simm.s32 @p2 $0x1082  }
0x22: {  	[simem:s7], [sflag:s8] =	dma.local @!p0 [hbm:s6], $0xF7A  }
0x23: {  	s9 =	sor.u32 $0xD0000000, s2;
	s6 =	simm.s32 $0x108;
	_ =	swait.ge @!p0 [sflag:s8], $0x0  }
0x24: {  	s3 =	sadd.s32 $0x88, s3;
	s6 =	simm.s32 @!p1 $0x1082;
	[sflag:s4] =	ssyncset.s32 $0xFFFFF086  }
0x25: {  	[simem:s6], [sflag:s4] =	dma.local [hbm:s3], $0xF7A  }
0x26: {  	[smem:$0x3F55] =	sst s1;
	(tag) =	ssettag s2;
	_ =	strace s9  }
0x27: {  	s1 =	sld [smem:$0x3F65]  }
0x28: {  	s2 =	sld [smem:$0x3F66]  }
0x29: {  	s4 =	sld [smem:$0x3F68]  }
0x2a: {  	p0 =	seq.s32 s5, $0x0;
	s5 =	sld [smem:$0x3F69]  }
0x2b: {  	s6 =	sld [smem:$0x3F6A]  }
0x2c: {  	s7 =	sld [smem:$0x3F6B]  }
0x2d: {  	s3 =	simm.s32 $0x108;
	s8 =	sld [smem:$0x3F6C]  }
0x2e: {  	s3 =	simm.s32 @!p0 $0x1082;
	s9 =	sld [smem:$0x3F6D]  }
0x2f: {  	lr =	sadd.s32 s0, s3;
	s0 =	sld [smem:$0x3F64]  }
0x30: {  	s3 =	sld [smem:$0x3F67]  }
0x31: {  	[smem:$0x3F70] =	sst s10  }
0x32: {  	s10 =	sld [smem:$0x3F6E];
	_ =	sdelay $0x3  }
0x33: {  	p0 =	seq.s32 s10, $0x1;
	s10 =	sld [smem:$0x3F70];
	_ =	sdelay $0x3  }
0x34: {  	[smem:$0x3F70] =	sst s10  }
0x35: {  	s10 =	sld [smem:$0x3F6F];
	_ =	sdelay $0x3  }
0x36: {  	p1 =	seq.s32 s10, $0x1;
	s10 =	sld [smem:$0x3F70];
	_ =	sdelay $0x3  }
0x37: {  	[smem:$0x3F70] =	sst s10  }
0x38: {  	s10 =	sld [smem:$0x3F71]  }
0x39: {  	_ = 	snop;
	(pc) =	sbr.ind lr, $3  }
0x3a: {  	_ = 	snop  }
0x3b: {  	_ = 	snop  }
0x3c: {  	p2 =	seq.s32 s10, $0x1;
	s10 =	sld [smem:$0x3F70]  }
0x3d: {  	_ =	shalt  }
0x3e: {  	_ =	shalt  }
0x3f: {  	_ =	shalt  }
0x40: {  	_ =	shalt  }
0x41: {  	_ =	shalt  }
0x42: {  	_ =	shalt  }
0x43: {  	_ =	shalt  }
0x44: {  	_ =	shalt  }
0x45: {  	_ =	shalt  }
0x46: {  	_ =	shalt  }
0x47: {  	_ =	shalt  }
0x48: {  	_ =	shalt  }
0x49: {  	_ =	shalt  }
0x4a: {  	_ =	shalt  }
0x4b: {  	_ =	shalt  }
0x4c: {  	_ =	shalt  }
0x4d: {  	_ =	shalt  }
0x4e: {  	_ =	shalt  }
0x4f: {  	_ =	shalt  }
0x50: {  	_ =	shalt  }
0x51: {  	_ =	shalt  }
0x52: {  	_ =	shalt  }
0x53: {  	_ =	shalt  }
0x54: {  	_ =	shalt  }
0x55: {  	_ =	shalt  }
0x56: {  	_ =	shalt  }
0x57: {  	_ =	shalt  }
0x58: {  	_ =	shalt  }
0x59: {  	_ =	shalt  }
0x5a: {  	_ =	shalt  }
0x5b: {  	_ =	shalt  }
0x5c: {  	_ =	shalt  }
0x5d: {  	_ =	shalt  }
0x5e: {  	_ =	shalt  }
0x5f: {  	_ =	shalt  }
0x60: {  	_ =	shalt  }
0x61: {  	_ =	shalt  }
0x62: {  	_ =	shalt  }
0x63: {  	_ =	shalt  }
0x64: {  	_ =	shalt  }
0x65: {  	_ =	shalt  }
0x66: {  	_ =	shalt  }
0x67: {  	_ =	shalt  }
0x68: {  	_ =	shalt  }
0x69: {  	_ =	shalt  }
0x6a: {  	_ =	shalt  }
0x6b: {  	_ =	shalt  }
0x6c: {  	_ =	shalt  }
0x6d: {  	_ =	shalt  }
0x6e: {  	_ =	shalt  }
0x6f: {  	_ =	shalt  }
0x70: {  	_ =	shalt  }
0x71: {  	_ =	shalt  }
0x72: {  	_ =	shalt  }
0x73: {  	_ =	shalt  }
0x74: {  	_ =	shalt  }
0x75: {  	_ =	shalt  }
0x76: {  	_ =	shalt  }
0x77: {  	_ =	shalt  }
0x78: {  	_ =	shalt  }
0x79: {  	_ =	shalt  }
0x7a: {  	_ =	shalt  }
0x7b: {  	_ =	shalt  }
0x7c: {  	_ =	shalt  }
0x7d: {  	_ =	shalt  }
0x7e: {  	_ =	shalt  }
0x7f: {  	_ =	shalt  }
0x80: {  	_ =	shalt  }
0x81: {  	_ =	shalt  }
0x82: {  	_ =	shalt  }
0x83: {  	_ =	shalt  }
0x84: {  	_ =	shalt  }
0x85: {  	_ =	shalt  }
0x86: {  	_ =	shalt  }
0x87: {  	_ =	shalt  }
.Lfunc_end0:
.L_simem_size_0:
called_computation.6_lowered:
.L_overlay_start_0:
0x88: {  	s2 =	sld [smem:$0x3FD9]  }
0x89: {  	s3 =	sld [smem:$0x3FFE];
	_ =	sdelay $0x1  }
0x8a: {  	s1 =	srdreg.scid  }
0x8b: {  	s0 =	sand.u32 $0x1, s1  }
0x8c: {  	s16 =	sshll.u32 s0, $0xA;
	s2 =	sadd.s32 s3, s2  }
0x8d: {  	s2 =	sadd.s32 s2, s16  }
0x8e: {  	[smem:$0x3F7C] =	sst s2  }
0x8f: {  	_ = 	snop  }
0x90: {  	(tm) =	ssettm $0x1  }
0x91: {  	s17 =	sld [smem:$0x3FFB];
	_ =	sdelay $0x3  }
0x92: {  	_ =	strace s17  }
0x93: {  	s2 =	sld [smem:$0x3FFC];
	_ =	sdelay $0x3  }
0x94: {  	_ =	strace s2  }
0x95: {  	s2 =	sld [smem:$0x3FFD];
	_ =	sdelay $0x3  }
0x96: {  	_ =	strace s2  }
0x97: {  	_ =	strace $0x8FFFFFFF  }
0x98: {  	s18 =	sld [smem:$0x3FDB];
	_ =	sdelay $0x1  }
0x99: {  	s19 =	simm.s32 $_scs_section_size  }
0x9a: {  	s4 =	simm.s32 $_size__tile_overlayer_lowered;
	s5 =	simm.s32 $_tile_overlayer_lowered  }
0x9b: {  	s22 =	simm.s32 $0x1BFF;
	s21 =	sshll.u32 s5, $0x1;
	s2 =	sadd.s32 s19, s18  }
0x9c: {  	s6 =	simm.s32 $0x0;
	s20 =	sshll.u32 s4, $0x1;
	s4 =	sadd.s32 s21, s2  }
0x9d: {  	[timem:s6], [sflag:s22] =	dma.local [hbm:s4], s20  }
0x9e: {  	_ =	swait.ge [sflag:s22], s20  }
0x9f: {  	s3 =	ssub.s32 $0x0, s20;
	[sflag:s22] =	ssyncset.done $0x0  }
0xa0: {  	[sflag:s22] =	ssyncadd.s32 s3;
	_ =	sdelay $0x1  }
0xa1: {  	s23 =	simm.s32 $0x1B8B  }
0xa2: {  	_ =	swait.ge [sflag:s23], $0x1  }
0xa3: {  	[sflag:s23] =	ssyncset.done $0x0  }
0xa4: {  	s25 =	simm.s32 $0x1B8E;
	s24 =	sld [smem:$0x3FFE];
	[sflag:s23] =	ssyncadd.s32 $0xFFFFFFFF  }
0xa5: {  	s26 =	simm.s32 $execute0_lowered;
	[smem:$0x3FD2] =	sst s25  }
0xa6: {  	s4 =	sshll.u32 s26, $0x1;
	_ =	strace $0x80000058;
	[dreg:$0x1] =	wrdreg $0xFFFFFFFF  }
0xa7: {  	s28 =	simm.s32 $_size_execute0_lowered;
	s2 =	sadd.s32 s2, s4;
	[dreg:$0x0] =	wrdreg $0x0  }
0xa8: {  	s4 =	sshll.u32 s28, $0x1;
	[dreg:$0x2] =	wrdreg s2  }
0xa9: {  	[dreg:$0x3] =	wrdreg s4  }
0xaa: {  	[dreg:$0x4] =	wrdreg $0xC0  }
0xab: {  	_ =	task [dreg:s6], $0x5FFFF  }
0xac: {  	[dreg:$0x1] =	wrdreg $0xFFFFFFFF  }
0xad: {  	[dreg:$0x0] =	wrdreg $0x60  }
0xae: {  	[dreg:$0x2] =	wrdreg s24  }
0xaf: {  	[dreg:$0x3] =	wrdreg $0xA  }
0xb0: {  	_ =	task.clear_ibuf [dreg:s6], $0x4FFFF;
	_ =	strace $0x90000058  }
0xb1: {  	s29 =	simm.s32 $0xA;
	_ =	strace $0x8000005A  }
0xb2: {  	_ =	swait.ge [sflag:s29], $0x1  }
0xb3: {  	[sflag:s29] =	ssyncadd.s32 $0xFFFFFFFF  }
0xb4: {  	_ =	strace $0x9000005A  }
0xb5: {  	_ =	sfence  }
0xb6: {  	s30 =	sld [smem:$0x0];
	_ =	sdelay $0x2  }
0xb7: {  	s31 =	sshll.u32 s1, $0xD;
	s1 =	sshrl.u32 s1, $0x2  }
0xb8: {  	s3 =	sand.u32 $0x4000, s31;
	s1 =	sadd.s32 s1, s30  }
0xb9: {  	s0 =	sor.u32 s3, s0;
	s1 =	sshll.u32 s1, $0x11  }
0xba: {  	s0 =	sor.u32 s1, s0  }
0xbb: {  	s0 =	sadd.s32 $0x8F2B, s0  }
0xbc: {  	[sflag:s0] =	ssyncadd.remote.s32 $0x1  }
0xbd: {  	_ =	sfence.sel $0xFFFF  }
0xbe: {  	[dreg:$0x0] =	wrdreg $0xFFFFFFFF;
	(pc) =	sbr.abs _section_cstart, $3  }
0xbf: {  	[dreg:$0x1] =	wrdreg $0xFFFFFFFF  }
0xc0: {  	_ =	task.clear_ibuf [dreg:s6], $0x2FFFF;
	_ =	strace $0x9FFFFFFF  }
0xc1: {  	(tm) =	ssettm $0x7FFFFFFF  }
tec
execute0_lowered:
.L_overlay_start_1:
0x0: {  	(tag) =	ssettag $0x1  }
0x1: {  	s7 =	rddreg [dreg:$0x0]  }
0x2: {  	s0 =	rddreg [dreg:$0x1];
	_ =	strace $0x80000059  }
0x3: {  	s1 =	srdreg.scid;
	s4 =	simm.s32 $0x1;
	s9 =	simm.s32 $0x3  }
0x4: {  	s12 =	simm.s32 $0x0;
	s10 =	simm.s32 $0x0;
	s5 =	sshll.u32 s1, $0x4  }
.Ltmp0:
0x5: {  	s1 =	stileid.u32;
	s5 =	sand.u32 $0x10, s5;
	(pc) =	sbr.rel .LBB2_1-.Ltmp0, $4  }
0x6: {  	s2 =	sadd.s32 $0x2000, s7;
	s3 =	sadd.s32 $0x29CE00, s7;
	s6 =	sor.u32 s1, s5  }
0x7: {  	[sflag:s4] =	ssyncpa.u1 $0x0;
	s5 =	simm.s32 $0x2;
	s6 =	sshll.u32 s6, $0x6  }
0x8: {  	s7 =	sadd.s32 $0x22000, s7;
	[sflag:s5] =	ssyncpa.u1 $0x0;
	s8 =	sadd.s32 $0x40, s6  }
0x9: {  	vm0 =	vmmov $0xff;
	vm1 =	vcmask $0x3F20;
	[sflag:s9] =	ssyncpa.u1 $0x0;
	s9 =	simm.s32 $0x40;
	s11 =	smov.u32 s6  }
.LBB2_10:
0xa: {  	[hbm:s16] =	stream.linear.scatter [tilespmem:s13], [sflag:$0x3], $0x800, $0x38;
	[tilespmem:$0x8080] =	vst v63  }
.LBB2_11:
0xb: {  	p0 =	seq.s32 s10, $0x2  }
.Ltmp1:
0xc: {  	_ = 	snop;
	(pc) =	sbr.rel @p0 .LBB2_13-.Ltmp1, $1  }
0xd: {  	_ =	sdelay $0x3  }
.LBB2_12:
0xe: {  	s12 =	sadd.s32 $0x40, s11  }
0xf: {  	s13 =	smov.u32 s6;
	p0 =	slt.s32 s12, s8  }
0x10: {  	s13 =	smov.u32 @p0 s12  }
0x11: {  	s10 =	sadd.s32 $0x1, s10;
	s12 =	smov.u32 s11;
	s11 =	smov.u32 s13  }
.LBB2_1:
0x12: {  	p0 =	sne.s32 s10, $0x0  }
.Ltmp2:
0x13: {  	_ = 	snop;
	(pc) =	sbr.rel @!p0 .LBB2_2-.Ltmp2, $1  }
0x14: {  	_ =	sdelay $0x3  }
0x15: {  	s13 =	sand.u32 $0x1, s10  }
0x16: {  	p0 =	seq.s32 s13, $0x0  }
.Ltmp3:
0x17: {  	_ = 	snop;
	(pc) =	sbr.rel @p0 .LBB2_11-.Ltmp3, $1  }
0x18: {  	_ =	sdelay $0x3  }
0x19: {  	_ =	swait.ge [sflag:s5], $0x40  }
0x1a: {  	[sflag:s5] =	ssyncset.done $0x0  }
0x1b: {  	s13 =	simm.s32 $0x0;
	[sflag:s5] =	ssyncadd.s32 $0xFFFFFFC0  }
.LBB2_5:
0x1c: {  	s14 =	sshll.u32 s13, $0x4  }
0x1d: {  	s14 =	sand.u32 $0x3FFFFFF0, s14  }
0x1e: {  	v0 =	vld.msk [tilespmem:s14+$0x40 ss:$0x1], $0xffff;
	_ =	sdelay $0x4  }
0x1f: {  	v1 =	vshrl.u32 v0, $0x3  }
0x20: {  	vm2 =	veq.s32 v0, $0x80000000;
	v1 =	vand.u32 $0x1FF, v1  }
0x21: {  	v0 =	vshll.u32 v0, $0x11;
	v1 =	vsel vm2, $0xFFFFFFFF, v1  }
0x22: {  	v0 =	vand.u32 $0xE0000, v0;
	v2 =	vshll.u32 v1, $0x8  }
0x23: {  	v0 =	vsel vm2, $0xFFFE0000, v0;
	v1 =	vshll.u32 v1, $0x7;
	v2 =	vand.u32 $0xFFFFF800, v2  }
0x24: {  	s31 =	sshll.u32 s13, $0xC;
	v1 =	vand.u32 $0x380, v1;
	v0 =	vadd.s32 v0, v2  }
0x25: {  	s14 =	sand.u32 $0x3FFFF000, s31;
	v0 =	vor.u32 v1, v0  }
0x26: {  	p0 =	por $0x1, $0x1;
	s15 =	simm.s32 $0x0;
	s14 =	sadd.s32 $0x4080, s14;
	v0 =	vshrl.u32 v0, $0x3  }
.LBB2_6:
0x27: {  	_ =	sdelay $0x1  }
0x28: {  	s15 =	sshra.s32 s15, $0x2;
	p1 =	por p0, p0  }
.Ltmp4:
0x29: {  	s15 =	sadd.s32 s15, s14;
	(pc) =	sbr.rel @p1 .LBB2_6-.Ltmp4, $4  }
0x2a: {  	[tilespmem:s15], [sflag:$0x1] =	stream.indirect_vreg.gather [hbm:s2], $0x80, v0, vm0, $0x38;
	[tilespmem:$0x8080] =	vst v63  }
0x2b: {  	s15 =	sadd.s32 $0x800, s15  }
0x2c: {  	[tilespmem:s15], [sflag:$0x1] =	stream.indirect_vreg.gather [hbm:s2], $0x80, v0, vm1, $0x38;
	[tilespmem:$0x8080] =	vst v63  }
0x2d: {  	p0 =	por $0x0, $0x0;
	v0 =	vadd.s32 $0x80, v0;
	s15 =	simm.s32 $0x1000  }
0x2e: {  	s13 =	sadd.s32 $0x1, s13  }
0x2f: {  	p0 =	sne.s32 s13, $0x4  }
.Ltmp5:
0x30: {  	_ = 	snop;
	(pc) =	sbr.rel @p0 .LBB2_5-.Ltmp5, $1  }
0x31: {  	_ =	sdelay $0x3  }
0x32: {  	s13 =	sshll.u32 s12, $0x5  }
0x33: {  	_ =	swait.ge [sflag:s4], $0x4000;
	s31 =	sshll.u32 s12, $0x4;
	s13 =	sand.u32 $0xFFFFFF00, s13  }
0x34: {  	s14 =	simm.s32 $0x100;
	s12 =	sand.u32 $0x70, s31;
	s13 =	sadd.s32 s13, s7  }
0x35: {  	s15 =	simm.s32 $0x4880;
	[sflag:s4] =	ssyncset.done $0x0;
	s12 =	sadd.s32 s12, s13  }
0x36: {  	[sflag:s4] =	ssyncadd.s32 $0xFFFFC000;
	s13 =	simm.s32 $0x4080;
	s16 =	sadd.s32 $0x0, s12  }
.LBB2_9:
0x37: {  	[hbm:s16] =	stream.linear.scatter [tilespmem:s13], [sflag:$0x3], $0x800, $0x38;
	[tilespmem:$0x8080] =	vst v63  }
0x38: {  	s16 =	smov.u32 s14;
	s13 =	smov.u32 s15;
	p0 =	sne.s32 s14, $0x700  }
.Ltmp6:
0x39: {  	s14 =	sadd.s32 $0x100, s14;
	(pc) =	sbr.rel @p0 .LBB2_9-.Ltmp6, $2  }
0x3a: {  	_ =	sdelay $0x2  }
0x3b: {  	s15 =	sadd.s32 $0x800, s15;
	s16 =	sadd.s32 s16, s12  }
.Ltmp7:
0x3c: {  	_ = 	snop;
	(pc) =	sbr.rel .LBB2_10-.Ltmp7, $1  }
0x3d: {  	_ =	sdelay $0x3  }
.LBB2_2:
.Ltmp8:
0x3e: {  	(pc) =	sbr.rel .LBB2_12-.Ltmp8, $4  }
0x3f: {  	_ = 	snop  }
0x40: {  	s12 =	sshrl.u32 s11, $0x3  }
0x41: {  	s13 =	sand.u32 $0x7, s11;
	s12 =	sadd.s32 s3, s12  }
0x42: {  	[tilespmem:s9], [sflag:$0x2] =	stream.linear.gather [hbm4b:s12+s13], $0x40, $0x38;
	[tilespmem:$0x8080] =	vst v63  }
.LBB2_13:
0x43: {  	s2 =	simm.s32 $0x3  }
0x44: {  	_ =	swait.ge [sflag:s2], $0x4000  }
0x45: {  	[sflag:s2] =	ssyncset.done $0x0  }
0x46: {  	[sflag:s2] =	ssyncadd.s32 $0xFFFFC000  }
0x47: {  	_ =	sfence.sel $0x180000  }
0x48: {  	s3 =	simm.s32 $0x2;
	[bflag:$0x0] =	sbarrier.arrive $0xFFFF  }
0x49: {  	[sflag:s3] =	ssyncpa.u1 $0x1  }
0x4a: {  	s31 =	simm.s32 $0x1;
	[sflag:s2] =	ssyncpa.u1 $0x1  }
0x4b: {  	[sflag:s31] =	ssyncpa.u1 $0x1  }
0x4c: {  	p0 =	sne.s32 s1, $0x0;
	_ =	strace $0x90000059  }
0x4d: {  	s0 =	sadd.s32 @!p0 $0x100000, s0;
	[bflag:$0x2] =	sbarrier.arrive $0xFFFF  }
0x4e: {  	[sflag:s0] =	ssyncadd.tile.s32 @!p0 $0x1;
	_ =	shalt  }
.Lfunc_end2:
_tile_overlayer_lowered:
.L_overlay_start_2:
0x4f: {  	(tag) =	ssettag $0x2  }
0x50: {  	s0 =	rddreg [dreg:$0x0];
	s2 =	stileid.u32  }
0x51: {  	s1 =	rddreg [dreg:$0x1];
	p0 =	sne.s32 s2, $0x0  }
0x52: {  	s3 =	rddreg [dreg:$0x2];
	[bflag:$0x3] =	sbarrier.arrive $0xFFFF;
	s2 =	simm.s32 @!p0 $0x1C01  }
0x53: {  	[timem:s3], [sflag:s2] =	dma.local @!p0 [hbm:s0], s1  }
0x54: {  	s0 =	simm.s32 @!p0 $0x1  }
0x55: {  	_ =	swait.ge @!p0 [sflag:s0], s1  }
0x56: {  	s1 =	ssub.s32 @!p0 $0x0, s1;
	[sflag:s0] =	ssyncset.done @!p0 $0x0  }
0x57: {  	[sflag:s0] =	ssyncadd.s32 @!p0 s1  }
0x58: {  	[bflag:$0x3] =	sbarrier.arrive $0xFFFF  }
0x59: {  	_ =	shalt  }

// kernel: gather_offload_async_start.4
scs
__scs_entry_jumppad:
0x0: {  	(pc) =	sbr.rel $0x88, $3  }
0x1: {  	(tag) =	ssettag $0x0;
	lr =	simm.s32 $0x1  }
0x2: {  	[smem:$0x3F55] =	sst lr;
	_ =	strace $0xD0000000  }
0x3: {  	_ = 	snop  }
0x4: {  	_ = 	snop  }
0x5: {  	_ = 	snop  }
0x6: {  	_ = 	snop  }
0x7: {  	_ = 	snop  }
__scs_overlays_trampoline_lowered:
0x8: {  	[smem:$0x3F64] =	sst s0  }
0x9: {  	[smem:$0x3F65] =	sst s1  }
0xa: {  	[smem:$0x3F66] =	sst s2  }
0xb: {  	[smem:$0x3F67] =	sst s3  }
0xc: {  	[smem:$0x3F68] =	sst s4  }
0xd: {  	[smem:$0x3F69] =	sst s5  }
0xe: {  	[smem:$0x3F6A] =	sst s6  }
0xf: {  	[smem:$0x3F6B] =	sst s7  }
0x10: {  	[smem:$0x3F6C] =	sst s8  }
0x11: {  	[smem:$0x3F6D] =	sst s9;
	s0 =	simm.s32 @!p0 $0x0  }
0x12: {  	s1 =	sld [smem:$0x3F53];
	s0 =	simm.s32 @p0 $0x1  }
0x13: {  	[smem:$0x3F6E] =	sst s0;
	s0 =	simm.s32 @!p1 $0x0  }
0x14: {  	s2 =	sld [smem:$0x3F52];
	s0 =	simm.s32 @p1 $0x1  }
0x15: {  	[smem:$0x3F6F] =	sst s0;
	s0 =	simm.s32 @!p2 $0x0  }
0x16: {  	s3 =	sld [smem:$0x3FDB];
	s0 =	simm.s32 @p2 $0x1  }
0x17: {  	s4 =	simm.s32 $0x1BF5;
	[smem:$0x3F71] =	sst s0  }
0x18: {  	s0 =	sld [smem:$0x3F54];
	_ =	swait.ge [sflag:s4], $0x0  }
0x19: {  	s7 =	sld [smem:$0x3F55]  }
0x1a: {  	s8 =	sadd.s32 $0xFFFFE003, lr  }
0x1b: {  	s9 =	sadd.s32 $0xFFFFFEF7, lr;
	s5 =	simm.s32 $0xFFFFFFFF;
	p2 =	slt.u32 s8, $0xFFFFF086  }
0x1c: {  	p1 =	slt.u32 s9, $0xF7A;
	s5 =	simm.s32 @!p2 $0x0  }
0x1d: {  	s5 =	simm.s32 @p1 $0x1;
	p0 =	seq.s32 s7, s2  }
0x1e: {  	s7 =	smul.u32 @!p0 $0xF7A, s2;
	p2 =	seq.s32 @!p0 s5, $0x0  }
0x1f: {  	s9 =	smul.u32 $0xF7A, s1;
	s8 =	simm.s32 @!p0 $0x1BF5;
	p2 =	por !p2, p0  }
0x20: {  	[sflag:s8] =	ssyncset.s32 @!p0 $0xFFFFF086;
	s6 =	sadd.s32 @!p0 s3, s7;
	s7 =	simm.s32 @!p0 $0x108  }
0x21: {  	s3 =	sadd.s32 s3, s9;
	s6 =	sadd.s32 @!p0 $0x88, s6;
	s7 =	simm.s32 @p2 $0x1082  }
0x22: {  	[simem:s7], [sflag:s8] =	dma.local @!p0 [hbm:s6], $0xF7A  }
0x23: {  	s9 =	sor.u32 $0xD0000000, s2;
	s6 =	simm.s32 $0x108;
	_ =	swait.ge @!p0 [sflag:s8], $0x0  }
0x24: {  	s3 =	sadd.s32 $0x88, s3;
	s6 =	simm.s32 @!p1 $0x1082;
	[sflag:s4] =	ssyncset.s32 $0xFFFFF086  }
0x25: {  	[simem:s6], [sflag:s4] =	dma.local [hbm:s3], $0xF7A  }
0x26: {  	[smem:$0x3F55] =	sst s1;
	(tag) =	ssettag s2;
	_ =	strace s9  }
0x27: {  	s1 =	sld [smem:$0x3F65]  }
0x28: {  	s2 =	sld [smem:$0x3F66]  }
0x29: {  	s4 =	sld [smem:$0x3F68]  }
0x2a: {  	p0 =	seq.s32 s5, $0x0;
	s5 =	sld [smem:$0x3F69]  }
0x2b: {  	s6 =	sld [smem:$0x3F6A]  }
0x2c: {  	s7 =	sld [smem:$0x3F6B]  }
0x2d: {  	s3 =	simm.s32 $0x108;
	s8 =	sld [smem:$0x3F6C]  }
0x2e: {  	s3 =	simm.s32 @!p0 $0x1082;
	s9 =	sld [smem:$0x3F6D]  }
0x2f: {  	lr =	sadd.s32 s0, s3;
	s0 =	sld [smem:$0x3F64]  }
0x30: {  	s3 =	sld [smem:$0x3F67]  }
0x31: {  	[smem:$0x3F70] =	sst s10  }
0x32: {  	s10 =	sld [smem:$0x3F6E];
	_ =	sdelay $0x3  }
0x33: {  	p0 =	seq.s32 s10, $0x1;
	s10 =	sld [smem:$0x3F70];
	_ =	sdelay $0x3  }
0x34: {  	[smem:$0x3F70] =	sst s10  }
0x35: {  	s10 =	sld [smem:$0x3F6F];
	_ =	sdelay $0x3  }
0x36: {  	p1 =	seq.s32 s10, $0x1;
	s10 =	sld [smem:$0x3F70];
	_ =	sdelay $0x3  }
0x37: {  	[smem:$0x3F70] =	sst s10  }
0x38: {  	s10 =	sld [smem:$0x3F71]  }
0x39: {  	_ = 	snop;
	(pc) =	sbr.ind lr, $3  }
0x3a: {  	_ = 	snop  }
0x3b: {  	_ = 	snop  }
0x3c: {  	p2 =	seq.s32 s10, $0x1;
	s10 =	sld [smem:$0x3F70]  }
0x3d: {  	_ =	shalt  }
0x3e: {  	_ =	shalt  }
0x3f: {  	_ =	shalt  }
0x40: {  	_ =	shalt  }
0x41: {  	_ =	shalt  }
0x42: {  	_ =	shalt  }
0x43: {  	_ =	shalt  }
0x44: {  	_ =	shalt  }
0x45: {  	_ =	shalt  }
0x46: {  	_ =	shalt  }
0x47: {  	_ =	shalt  }
0x48: {  	_ =	shalt  }
0x49: {  	_ =	shalt  }
0x4a: {  	_ =	shalt  }
0x4b: {  	_ =	shalt  }
0x4c: {  	_ =	shalt  }
0x4d: {  	_ =	shalt  }
0x4e: {  	_ =	shalt  }
0x4f: {  	_ =	shalt  }
0x50: {  	_ =	shalt  }
0x51: {  	_ =	shalt  }
0x52: {  	_ =	shalt  }
0x53: {  	_ =	shalt  }
0x54: {  	_ =	shalt  }
0x55: {  	_ =	shalt  }
0x56: {  	_ =	shalt  }
0x57: {  	_ =	shalt  }
0x58: {  	_ =	shalt  }
0x59: {  	_ =	shalt  }
0x5a: {  	_ =	shalt  }
0x5b: {  	_ =	shalt  }
0x5c: {  	_ =	shalt  }
0x5d: {  	_ =	shalt  }
0x5e: {  	_ =	shalt  }
0x5f: {  	_ =	shalt  }
0x60: {  	_ =	shalt  }
0x61: {  	_ =	shalt  }
0x62: {  	_ =	shalt  }
0x63: {  	_ =	shalt  }
0x64: {  	_ =	shalt  }
0x65: {  	_ =	shalt  }
0x66: {  	_ =	shalt  }
0x67: {  	_ =	shalt  }
0x68: {  	_ =	shalt  }
0x69: {  	_ =	shalt  }
0x6a: {  	_ =	shalt  }
0x6b: {  	_ =	shalt  }
0x6c: {  	_ =	shalt  }
0x6d: {  	_ =	shalt  }
0x6e: {  	_ =	shalt  }
0x6f: {  	_ =	shalt  }
0x70: {  	_ =	shalt  }
0x71: {  	_ =	shalt  }
0x72: {  	_ =	shalt  }
0x73: {  	_ =	shalt  }
0x74: {  	_ =	shalt  }
0x75: {  	_ =	shalt  }
0x76: {  	_ =	shalt  }
0x77: {  	_ =	shalt  }
0x78: {  	_ =	shalt  }
0x79: {  	_ =	shalt  }
0x7a: {  	_ =	shalt  }
0x7b: {  	_ =	shalt  }
0x7c: {  	_ =	shalt  }
0x7d: {  	_ =	shalt  }
0x7e: {  	_ =	shalt  }
0x7f: {  	_ =	shalt  }
0x80: {  	_ =	shalt  }
0x81: {  	_ =	shalt  }
0x82: {  	_ =	shalt  }
0x83: {  	_ =	shalt  }
0x84: {  	_ =	shalt  }
0x85: {  	_ =	shalt  }
0x86: {  	_ =	shalt  }
0x87: {  	_ =	shalt  }
.Lfunc_end0:
.L_simem_size_0:
called_computation.7_lowered:
.L_overlay_start_0:
0x88: {  	s2 =	sld [smem:$0x3FD9]  }
0x89: {  	s3 =	sld [smem:$0x3FFE];
	_ =	sdelay $0x1  }
0x8a: {  	s1 =	srdreg.scid  }
0x8b: {  	s0 =	sand.u32 $0x1, s1  }
0x8c: {  	s16 =	sshll.u32 s0, $0xA;
	s2 =	sadd.s32 s3, s2  }
0x8d: {  	s2 =	sadd.s32 s2, s16  }
0x8e: {  	[smem:$0x3F7C] =	sst s2  }
0x8f: {  	_ = 	snop  }
0x90: {  	(tm) =	ssettm $0x1  }
0x91: {  	s17 =	sld [smem:$0x3FFB];
	_ =	sdelay $0x3  }
0x92: {  	_ =	strace s17  }
0x93: {  	s2 =	sld [smem:$0x3FFC];
	_ =	sdelay $0x3  }
0x94: {  	_ =	strace s2  }
0x95: {  	s2 =	sld [smem:$0x3FFD];
	_ =	sdelay $0x3  }
0x96: {  	_ =	strace s2  }
0x97: {  	_ =	strace $0x8FFFFFFF  }
0x98: {  	s18 =	sld [smem:$0x3FDB];
	_ =	sdelay $0x1  }
0x99: {  	s19 =	simm.s32 $_scs_section_size  }
0x9a: {  	s4 =	simm.s32 $_size__tile_overlayer_lowered;
	s5 =	simm.s32 $_tile_overlayer_lowered  }
0x9b: {  	s22 =	simm.s32 $0x1BFF;
	s21 =	sshll.u32 s5, $0x1;
	s2 =	sadd.s32 s19, s18  }
0x9c: {  	s6 =	simm.s32 $0x0;
	s20 =	sshll.u32 s4, $0x1;
	s4 =	sadd.s32 s21, s2  }
0x9d: {  	[timem:s6], [sflag:s22] =	dma.local [hbm:s4], s20  }
0x9e: {  	_ =	swait.ge [sflag:s22], s20  }
0x9f: {  	s3 =	ssub.s32 $0x0, s20;
	[sflag:s22] =	ssyncset.done $0x0  }
0xa0: {  	[sflag:s22] =	ssyncadd.s32 s3;
	_ =	sdelay $0x1  }
0xa1: {  	s23 =	simm.s32 $0x1B8B  }
0xa2: {  	_ =	swait.ge [sflag:s23], $0x1  }
0xa3: {  	[sflag:s23] =	ssyncset.done $0x0  }
0xa4: {  	s25 =	simm.s32 $0x1B8E;
	s24 =	sld [smem:$0x3FFE];
	[sflag:s23] =	ssyncadd.s32 $0xFFFFFFFF  }
0xa5: {  	s26 =	simm.s32 $execute0_lowered;
	[smem:$0x3FD2] =	sst s25  }
0xa6: {  	s4 =	sshll.u32 s26, $0x1;
	_ =	strace $0x80000046;
	[dreg:$0x1] =	wrdreg $0xFFFFFFFF  }
0xa7: {  	s28 =	simm.s32 $_size_execute0_lowered;
	s2 =	sadd.s32 s2, s4;
	[dreg:$0x0] =	wrdreg $0x0  }
0xa8: {  	s4 =	sshll.u32 s28, $0x1;
	[dreg:$0x2] =	wrdreg s2  }
0xa9: {  	[dreg:$0x3] =	wrdreg s4  }
0xaa: {  	[dreg:$0x4] =	wrdreg $0xC0  }
0xab: {  	_ =	task [dreg:s6], $0x5FFFF  }
0xac: {  	[dreg:$0x1] =	wrdreg $0xFFFFFFFF  }
0xad: {  	[dreg:$0x0] =	wrdreg $0x60  }
0xae: {  	[dreg:$0x2] =	wrdreg s24  }
0xaf: {  	[dreg:$0x3] =	wrdreg $0x9  }
0xb0: {  	_ =	task.clear_ibuf [dreg:s6], $0x4FFFF;
	_ =	strace $0x90000046  }
0xb1: {  	s29 =	simm.s32 $0x9;
	_ =	strace $0x80000048  }
0xb2: {  	_ =	swait.ge [sflag:s29], $0x1  }
0xb3: {  	[sflag:s29] =	ssyncadd.s32 $0xFFFFFFFF  }
0xb4: {  	_ =	strace $0x90000048  }
0xb5: {  	_ =	sfence  }
0xb6: {  	s30 =	sld [smem:$0x0];
	_ =	sdelay $0x2  }
0xb7: {  	s31 =	sshll.u32 s1, $0xD;
	s1 =	sshrl.u32 s1, $0x2  }
0xb8: {  	s3 =	sand.u32 $0x4000, s31;
	s1 =	sadd.s32 s1, s30  }
0xb9: {  	s0 =	sor.u32 s3, s0;
	s1 =	sshll.u32 s1, $0x11  }
0xba: {  	s0 =	sor.u32 s1, s0  }
0xbb: {  	s0 =	sadd.s32 $0x8F2B, s0  }
0xbc: {  	[sflag:s0] =	ssyncadd.remote.s32 $0x1  }
0xbd: {  	_ =	sfence.sel $0xFFFF  }
0xbe: {  	[dreg:$0x0] =	wrdreg $0xFFFFFFFF;
	(pc) =	sbr.abs _section_cstart, $3  }
0xbf: {  	[dreg:$0x1] =	wrdreg $0xFFFFFFFF  }
0xc0: {  	_ =	task.clear_ibuf [dreg:s6], $0x2FFFF;
	_ =	strace $0x9FFFFFFF  }
0xc1: {  	(tm) =	ssettm $0x7FFFFFFF  }
tec
execute0_lowered:
.L_overlay_start_1:
0x0: {  	(tag) =	ssettag $0x1  }
0x1: {  	s7 =	rddreg [dreg:$0x0]  }
0x2: {  	s0 =	rddreg [dreg:$0x1];
	_ =	strace $0x80000047  }
0x3: {  	s1 =	srdreg.scid;
	s4 =	simm.s32 $0x1;
	s9 =	simm.s32 $0x3  }
0x4: {  	s12 =	simm.s32 $0x0;
	s10 =	simm.s32 $0x0;
	s5 =	sshll.u32 s1, $0x4  }
.Ltmp0:
0x5: {  	s1 =	stileid.u32;
	s5 =	sand.u32 $0x10, s5;
	(pc) =	sbr.rel .LBB2_1-.Ltmp0, $4  }
0x6: {  	s2 =	sadd.s32 $0x200, s7;
	s3 =	sadd.s32 $0x40200, s7;
	s6 =	sor.u32 s1, s5  }
0x7: {  	[sflag:s4] =	ssyncpa.u1 $0x0;
	s5 =	simm.s32 $0x2;
	s6 =	sshll.u32 s6, $0x8  }
0x8: {  	s7 =	sadd.s32 $0x7C600, s7;
	[sflag:s5] =	ssyncpa.u1 $0x0;
	s8 =	sadd.s32 $0x100, s6  }
0x9: {  	vm0 =	vmmov $0xff;
	vm1 =	vcmask $0x3F20;
	[sflag:s9] =	ssyncpa.u1 $0x0;
	s9 =	simm.s32 $0x100;
	s11 =	smov.u32 s6  }
.LBB2_9:
0xa: {  	p0 =	seq.s32 s10, $0x2  }
.Ltmp1:
0xb: {  	_ = 	snop;
	(pc) =	sbr.rel @p0 .LBB2_11-.Ltmp1, $1  }
0xc: {  	_ =	sdelay $0x3  }
.LBB2_10:
0xd: {  	s12 =	sadd.s32 $0x100, s11  }
0xe: {  	s13 =	smov.u32 s6;
	p0 =	slt.s32 s12, s8  }
0xf: {  	s13 =	smov.u32 @p0 s12  }
0x10: {  	s10 =	sadd.s32 $0x1, s10;
	s12 =	smov.u32 s11;
	s11 =	smov.u32 s13  }
.LBB2_1:
0x11: {  	p0 =	sne.s32 s10, $0x0  }
.Ltmp2:
0x12: {  	_ = 	snop;
	(pc) =	sbr.rel @!p0 .LBB2_2-.Ltmp2, $1  }
0x13: {  	_ =	sdelay $0x3  }
0x14: {  	s13 =	sand.u32 $0x1, s10  }
0x15: {  	p0 =	seq.s32 s13, $0x0  }
.Ltmp3:
0x16: {  	_ = 	snop;
	(pc) =	sbr.rel @p0 .LBB2_9-.Ltmp3, $1  }
0x17: {  	_ =	sdelay $0x3  }
0x18: {  	_ =	swait.ge [sflag:s5], $0x100  }
0x19: {  	[sflag:s5] =	ssyncset.done $0x0  }
0x1a: {  	s13 =	simm.s32 $0x0;
	[sflag:s5] =	ssyncadd.s32 $0xFFFFFF00  }
0x1b: {  	v0 =	vld.msk [tilespmem:s13+$0x100 ss:$0x1], $0xffff;
	_ =	sdelay $0x4  }
0x1c: {  	v1 =	vshll.u32 v0, $0x4  }
0x1d: {  	vm2 =	veq.s32 v0, $0x80000000;
	v0 =	vshll.u32 v0, $0x12;
	v1 =	vand.u32 $0x3FF80, v1  }
0x1e: {  	v0 =	vand.u32 $0x1C0000, v0;
	v1 =	vsel vm2, $0xFFFFFF80, v1  }
0x1f: {  	v0 =	vsel vm2, $0xFFFC0000, v0;
	v2 =	vand.u32 $0xFFFFFC00, v1  }
0x20: {  	v1 =	vand.u32 $0x380, v1;
	v0 =	vadd.s32 v0, v2  }
0x21: {  	v0 =	vor.u32 v1, v0  }
0x22: {  	v0 =	vshrl.u32 v0, $0x3;
	_ =	sdelay $0x3  }
0x23: {  	s13 =	simm.s32 $0x8200  }
0x24: {  	[tilespmem:s13], [sflag:$0x1] =	stream.indirect_vreg.gather [hbm:s2], $0x80, v0, vm0, $0x38;
	[tilespmem:$0x10200] =	vst v63  }
0x25: {  	s14 =	simm.s32 $0x8600;
	s31 =	simm.s32 $0x10  }
0x26: {  	[tilespmem:s14], [sflag:$0x1] =	stream.indirect_vreg.gather [hbm:s2], $0x80, v0, vm1, $0x38;
	[tilespmem:$0x10200] =	vst v63  }
0x27: {  	s14 =	simm.s32 $0x80;
	v0 =	vld.msk [tilespmem:s31+$0x100 ss:$0x1], $0xffff  }
.LBB2_5:
0x28: {  	p0 =	sne.s32 s14, $0x3C0;
	_ =	sdelay $0x4  }
0x29: {  	v1 =	vshll.u32 v0, $0x4  }
0x2a: {  	vm2 =	veq.s32 v0, $0x80000000;
	v0 =	vshll.u32 v0, $0x12;
	v1 =	vand.u32 $0x3FF80, v1  }
0x2b: {  	v0 =	vand.u32 $0x1C0000, v0;
	v1 =	vsel vm2, $0xFFFFFF80, v1  }
0x2c: {  	v0 =	vsel vm2, $0xFFFC0000, v0;
	v2 =	vand.u32 $0xFFFFFC00, v1  }
0x2d: {  	v1 =	vand.u32 $0x380, v1;
	v0 =	vadd.s32 v0, v2  }
0x2e: {  	v0 =	vor.u32 v1, v0  }
0x2f: {  	v0 =	vshrl.u32 v0, $0x3;
	_ =	sdelay $0x3  }
.Ltmp4:
0x30: {  	s13 =	sadd.s32 $0x800, s13;
	(pc) =	sbr.rel @p0 .LBB2_5-.Ltmp4, $4  }
0x31: {  	[tilespmem:s13], [sflag:$0x1] =	stream.indirect_vreg.gather [hbm:s2], $0x80, v0, vm0, $0x38;
	[tilespmem:$0x10200] =	vst v63  }
0x32: {  	s15 =	sshra.s32 s14, $0x2;
	s16 =	sadd.s32 $0x400, s13  }
0x33: {  	[tilespmem:s16], [sflag:$0x1] =	stream.indirect_vreg.gather [hbm:s2], $0x80, v0, vm1, $0x38;
	[tilespmem:$0x10200] =	vst v63  }
0x34: {  	s14 =	sadd.s32 $0x40, s14;
	v0 =	vld.msk [tilespmem:s15+$0x100 ss:$0x1], $0xffff  }
0x35: {  	_ =	sdelay $0x3  }
0x36: {  	v1 =	vshll.u32 v0, $0x4  }
0x37: {  	vm2 =	veq.s32 v0, $0x80000000;
	v63 =	vshll.u32 v0, $0x12;
	v1 =	vand.u32 $0x3FF80, v1  }
0x38: {  	v0 =	vand.u32 $0x1C0000, v63;
	v1 =	vsel vm2, $0xFFFFFF80, v1  }
0x39: {  	v0 =	vsel vm2, $0xFFFC0000, v0;
	v2 =	vand.u32 $0xFFFFFC00, v1  }
0x3a: {  	v1 =	vand.u32 $0x380, v1;
	v0 =	vadd.s32 v0, v2  }
0x3b: {  	v0 =	vor.u32 v1, v0  }
0x3c: {  	v0 =	vshrl.u32 v0, $0x3;
	_ =	sdelay $0x3  }
0x3d: {  	s13 =	sadd.s32 $0x800, s13  }
0x3e: {  	[tilespmem:s13], [sflag:$0x1] =	stream.indirect_vreg.gather [hbm:s2], $0x80, v0, vm0, $0x38;
	[tilespmem:$0x10200] =	vst v63  }
0x3f: {  	s13 =	sadd.s32 $0x400, s13  }
0x40: {  	[tilespmem:s13], [sflag:$0x1] =	stream.indirect_vreg.gather [hbm:s2], $0x80, v0, vm1, $0x38;
	[tilespmem:$0x10200] =	vst v63  }
0x41: {  	s12 =	sshll.u32 s12, $0x4;
	s14 =	simm.s32 $0x80;
	_ =	swait.ge [sflag:s4], $0x8000  }
0x42: {  	s15 =	simm.s32 $0x8600;
	s12 =	sadd.s32 s12, s7;
	[sflag:s4] =	ssyncset.done $0x0  }
0x43: {  	s16 =	sadd.s32 $0x0, s12;
	s13 =	simm.s32 $0x8200;
	[sflag:s4] =	ssyncadd.s32 $0xFFFF8000  }
.LBB2_7:
0x44: {  	[hbm:s16] =	stream.linear.scatter [tilespmem:s13], [sflag:$0x3], $0x400, $0x38;
	[tilespmem:$0x10200] =	vst v63  }
0x45: {  	s16 =	smov.u32 s14;
	s13 =	smov.u32 s15;
	p0 =	sne.s32 s14, $0xF80  }
.Ltmp5:
0x46: {  	s14 =	sadd.s32 $0x80, s14;
	(pc) =	sbr.rel @p0 .LBB2_7-.Ltmp5, $2  }
0x47: {  	_ =	sdelay $0x2  }
0x48: {  	s15 =	sadd.s32 $0x400, s15;
	s16 =	sadd.s32 s16, s12  }
.Ltmp6:
0x49: {  	(pc) =	sbr.rel .LBB2_9-.Ltmp6, $2  }
0x4a: {  	_ =	sdelay $0x2  }
0x4b: {  	[hbm:s16] =	stream.linear.scatter [tilespmem:s13], [sflag:$0x3], $0x400, $0x38;
	[tilespmem:$0x10200] =	vst v63  }
.LBB2_2:
.Ltmp7:
0x4c: {  	(pc) =	sbr.rel .LBB2_10-.Ltmp7, $4  }
0x4d: {  	_ = 	snop  }
0x4e: {  	s12 =	sshrl.u32 s11, $0x3  }
0x4f: {  	s13 =	sand.u32 $0x7, s11;
	s12 =	sadd.s32 s3, s12  }
0x50: {  	[tilespmem:s9], [sflag:$0x2] =	stream.linear.gather [hbm4b:s12+s13], $0x100, $0x38;
	[tilespmem:$0x10200] =	vst v63  }
.LBB2_11:
0x51: {  	s2 =	simm.s32 $0x3  }
0x52: {  	_ =	swait.ge [sflag:s2], $0x8000  }
0x53: {  	[sflag:s2] =	ssyncset.done $0x0  }
0x54: {  	[sflag:s2] =	ssyncadd.s32 $0xFFFF8000  }
0x55: {  	_ =	sfence.sel $0x180000  }
0x56: {  	s3 =	simm.s32 $0x2;
	[bflag:$0x0] =	sbarrier.arrive $0xFFFF  }
0x57: {  	[sflag:s3] =	ssyncpa.u1 $0x1  }
0x58: {  	s31 =	simm.s32 $0x1;
	[sflag:s2] =	ssyncpa.u1 $0x1  }
0x59: {  	[sflag:s31] =	ssyncpa.u1 $0x1  }
0x5a: {  	p0 =	sne.s32 s1, $0x0;
	_ =	strace $0x90000047  }
0x5b: {  	s0 =	sadd.s32 @!p0 $0x100000, s0;
	[bflag:$0x2] =	sbarrier.arrive $0xFFFF  }
0x5c: {  	[sflag:s0] =	ssyncadd.tile.s32 @!p0 $0x1;
	_ =	shalt  }
.Lfunc_end2:
_tile_overlayer_lowered:
.L_overlay_start_2:
0x5d: {  	(tag) =	ssettag $0x2  }
0x5e: {  	s0 =	rddreg [dreg:$0x0];
	s2 =	stileid.u32  }
0x5f: {  	s1 =	rddreg [dreg:$0x1];
	p0 =	sne.s32 s2, $0x0  }
0x60: {  	s3 =	rddreg [dreg:$0x2];
	[bflag:$0x3] =	sbarrier.arrive $0xFFFF;
	s2 =	simm.s32 @!p0 $0x1C01  }
0x61: {  	[timem:s3], [sflag:s2] =	dma.local @!p0 [hbm:s0], s1  }
0x62: {  	s0 =	simm.s32 @!p0 $0x1  }
0x63: {  	_ =	swait.ge @!p0 [sflag:s0], s1  }
0x64: {  	s1 =	ssub.s32 @!p0 $0x0, s1;
	[sflag:s0] =	ssyncset.done @!p0 $0x0  }
0x65: {  	[sflag:s0] =	ssyncadd.s32 @!p0 s1  }
0x66: {  	[bflag:$0x3] =	sbarrier.arrive $0xFFFF  }
0x67: {  	_ =	shalt  }

// kernel: gather_offload_async_start
scs
__scs_entry_jumppad:
0x0: {  	(pc) =	sbr.rel $0x88, $3  }
0x1: {  	(tag) =	ssettag $0x0;
	lr =	simm.s32 $0x1  }
0x2: {  	[smem:$0x3F55] =	sst lr;
	_ =	strace $0xD0000000  }
0x3: {  	_ = 	snop  }
0x4: {  	_ = 	snop  }
0x5: {  	_ = 	snop  }
0x6: {  	_ = 	snop  }
0x7: {  	_ = 	snop  }
__scs_overlays_trampoline_lowered:
0x8: {  	[smem:$0x3F64] =	sst s0  }
0x9: {  	[smem:$0x3F65] =	sst s1  }
0xa: {  	[smem:$0x3F66] =	sst s2  }
0xb: {  	[smem:$0x3F67] =	sst s3  }
0xc: {  	[smem:$0x3F68] =	sst s4  }
0xd: {  	[smem:$0x3F69] =	sst s5  }
0xe: {  	[smem:$0x3F6A] =	sst s6  }
0xf: {  	[smem:$0x3F6B] =	sst s7  }
0x10: {  	[smem:$0x3F6C] =	sst s8  }
0x11: {  	[smem:$0x3F6D] =	sst s9;
	s0 =	simm.s32 @!p0 $0x0  }
0x12: {  	s1 =	sld [smem:$0x3F53];
	s0 =	simm.s32 @p0 $0x1  }
0x13: {  	[smem:$0x3F6E] =	sst s0;
	s0 =	simm.s32 @!p1 $0x0  }
0x14: {  	s2 =	sld [smem:$0x3F52];
	s0 =	simm.s32 @p1 $0x1  }
0x15: {  	[smem:$0x3F6F] =	sst s0;
	s0 =	simm.s32 @!p2 $0x0  }
0x16: {  	s3 =	sld [smem:$0x3FDB];
	s0 =	simm.s32 @p2 $0x1  }
0x17: {  	s4 =	simm.s32 $0x1BF5;
	[smem:$0x3F71] =	sst s0  }
0x18: {  	s0 =	sld [smem:$0x3F54];
	_ =	swait.ge [sflag:s4], $0x0  }
0x19: {  	s7 =	sld [smem:$0x3F55]  }
0x1a: {  	s8 =	sadd.s32 $0xFFFFE003, lr  }
0x1b: {  	s9 =	sadd.s32 $0xFFFFFEF7, lr;
	s5 =	simm.s32 $0xFFFFFFFF;
	p2 =	slt.u32 s8, $0xFFFFF086  }
0x1c: {  	p1 =	slt.u32 s9, $0xF7A;
	s5 =	simm.s32 @!p2 $0x0  }
0x1d: {  	s5 =	simm.s32 @p1 $0x1;
	p0 =	seq.s32 s7, s2  }
0x1e: {  	s7 =	smul.u32 @!p0 $0xF7A, s2;
	p2 =	seq.s32 @!p0 s5, $0x0  }
0x1f: {  	s9 =	smul.u32 $0xF7A, s1;
	s8 =	simm.s32 @!p0 $0x1BF5;
	p2 =	por !p2, p0  }
0x20: {  	[sflag:s8] =	ssyncset.s32 @!p0 $0xFFFFF086;
	s6 =	sadd.s32 @!p0 s3, s7;
	s7 =	simm.s32 @!p0 $0x108  }
0x21: {  	s3 =	sadd.s32 s3, s9;
	s6 =	sadd.s32 @!p0 $0x88, s6;
	s7 =	simm.s32 @p2 $0x1082  }
0x22: {  	[simem:s7], [sflag:s8] =	dma.local @!p0 [hbm:s6], $0xF7A  }
0x23: {  	s9 =	sor.u32 $0xD0000000, s2;
	s6 =	simm.s32 $0x108;
	_ =	swait.ge @!p0 [sflag:s8], $0x0  }
0x24: {  	s3 =	sadd.s32 $0x88, s3;
	s6 =	simm.s32 @!p1 $0x1082;
	[sflag:s4] =	ssyncset.s32 $0xFFFFF086  }
0x25: {  	[simem:s6], [sflag:s4] =	dma.local [hbm:s3], $0xF7A  }
0x26: {  	[smem:$0x3F55] =	sst s1;
	(tag) =	ssettag s2;
	_ =	strace s9  }
0x27: {  	s1 =	sld [smem:$0x3F65]  }
0x28: {  	s2 =	sld [smem:$0x3F66]  }
0x29: {  	s4 =	sld [smem:$0x3F68]  }
0x2a: {  	p0 =	seq.s32 s5, $0x0;
	s5 =	sld [smem:$0x3F69]  }
0x2b: {  	s6 =	sld [smem:$0x3F6A]  }
0x2c: {  	s7 =	sld [smem:$0x3F6B]  }
0x2d: {  	s3 =	simm.s32 $0x108;
	s8 =	sld [smem:$0x3F6C]  }
0x2e: {  	s3 =	simm.s32 @!p0 $0x1082;
	s9 =	sld [smem:$0x3F6D]  }
0x2f: {  	lr =	sadd.s32 s0, s3;
	s0 =	sld [smem:$0x3F64]  }
0x30: {  	s3 =	sld [smem:$0x3F67]  }
0x31: {  	[smem:$0x3F70] =	sst s10  }
0x32: {  	s10 =	sld [smem:$0x3F6E];
	_ =	sdelay $0x3  }
0x33: {  	p0 =	seq.s32 s10, $0x1;
	s10 =	sld [smem:$0x3F70];
	_ =	sdelay $0x3  }
0x34: {  	[smem:$0x3F70] =	sst s10  }
0x35: {  	s10 =	sld [smem:$0x3F6F];
	_ =	sdelay $0x3  }
0x36: {  	p1 =	seq.s32 s10, $0x1;
	s10 =	sld [smem:$0x3F70];
	_ =	sdelay $0x3  }
0x37: {  	[smem:$0x3F70] =	sst s10  }
0x38: {  	s10 =	sld [smem:$0x3F71]  }
0x39: {  	_ = 	snop;
	(pc) =	sbr.ind lr, $3  }
0x3a: {  	_ = 	snop  }
0x3b: {  	_ = 	snop  }
0x3c: {  	p2 =	seq.s32 s10, $0x1;
	s10 =	sld [smem:$0x3F70]  }
0x3d: {  	_ =	shalt  }
0x3e: {  	_ =	shalt  }
0x3f: {  	_ =	shalt  }
0x40: {  	_ =	shalt  }
0x41: {  	_ =	shalt  }
0x42: {  	_ =	shalt  }
0x43: {  	_ =	shalt  }
0x44: {  	_ =	shalt  }
0x45: {  	_ =	shalt  }
0x46: {  	_ =	shalt  }
0x47: {  	_ =	shalt  }
0x48: {  	_ =	shalt  }
0x49: {  	_ =	shalt  }
0x4a: {  	_ =	shalt  }
0x4b: {  	_ =	shalt  }
0x4c: {  	_ =	shalt  }
0x4d: {  	_ =	shalt  }
0x4e: {  	_ =	shalt  }
0x4f: {  	_ =	shalt  }
0x50: {  	_ =	shalt  }
0x51: {  	_ =	shalt  }
0x52: {  	_ =	shalt  }
0x53: {  	_ =	shalt  }
0x54: {  	_ =	shalt  }
0x55: {  	_ =	shalt  }
0x56: {  	_ =	shalt  }
0x57: {  	_ =	shalt  }
0x58: {  	_ =	shalt  }
0x59: {  	_ =	shalt  }
0x5a: {  	_ =	shalt  }
0x5b: {  	_ =	shalt  }
0x5c: {  	_ =	shalt  }
0x5d: {  	_ =	shalt  }
0x5e: {  	_ =	shalt  }
0x5f: {  	_ =	shalt  }
0x60: {  	_ =	shalt  }
0x61: {  	_ =	shalt  }
0x62: {  	_ =	shalt  }
0x63: {  	_ =	shalt  }
0x64: {  	_ =	shalt  }
0x65: {  	_ =	shalt  }
0x66: {  	_ =	shalt  }
0x67: {  	_ =	shalt  }
0x68: {  	_ =	shalt  }
0x69: {  	_ =	shalt  }
0x6a: {  	_ =	shalt  }
0x6b: {  	_ =	shalt  }
0x6c: {  	_ =	shalt  }
0x6d: {  	_ =	shalt  }
0x6e: {  	_ =	shalt  }
0x6f: {  	_ =	shalt  }
0x70: {  	_ =	shalt  }
0x71: {  	_ =	shalt  }
0x72: {  	_ =	shalt  }
0x73: {  	_ =	shalt  }
0x74: {  	_ =	shalt  }
0x75: {  	_ =	shalt  }
0x76: {  	_ =	shalt  }
0x77: {  	_ =	shalt  }
0x78: {  	_ =	shalt  }
0x79: {  	_ =	shalt  }
0x7a: {  	_ =	shalt  }
0x7b: {  	_ =	shalt  }
0x7c: {  	_ =	shalt  }
0x7d: {  	_ =	shalt  }
0x7e: {  	_ =	shalt  }
0x7f: {  	_ =	shalt  }
0x80: {  	_ =	shalt  }
0x81: {  	_ =	shalt  }
0x82: {  	_ =	shalt  }
0x83: {  	_ =	shalt  }
0x84: {  	_ =	shalt  }
0x85: {  	_ =	shalt  }
0x86: {  	_ =	shalt  }
0x87: {  	_ =	shalt  }
.Lfunc_end0:
.L_simem_size_0:
called_computation.3_lowered:
.L_overlay_start_0:
0x88: {  	s2 =	sld [smem:$0x3FD9]  }
0x89: {  	s3 =	sld [smem:$0x3FFE];
	_ =	sdelay $0x1  }
0x8a: {  	s1 =	srdreg.scid  }
0x8b: {  	s0 =	sand.u32 $0x1, s1  }
0x8c: {  	s16 =	sshll.u32 s0, $0xA;
	s2 =	sadd.s32 s3, s2  }
0x8d: {  	s2 =	sadd.s32 s2, s16  }
0x8e: {  	[smem:$0x3F7C] =	sst s2  }
0x8f: {  	_ = 	snop  }
0x90: {  	(tm) =	ssettm $0x1  }
0x91: {  	s17 =	sld [smem:$0x3FFB];
	_ =	sdelay $0x3  }
0x92: {  	_ =	strace s17  }
0x93: {  	s2 =	sld [smem:$0x3FFC];
	_ =	sdelay $0x3  }
0x94: {  	_ =	strace s2  }
0x95: {  	s2 =	sld [smem:$0x3FFD];
	_ =	sdelay $0x3  }
0x96: {  	_ =	strace s2  }
0x97: {  	_ =	strace $0x8FFFFFFF  }
0x98: {  	s18 =	sld [smem:$0x3FDB];
	_ =	sdelay $0x1  }
0x99: {  	s19 =	simm.s32 $_scs_section_size  }
0x9a: {  	s4 =	simm.s32 $_size__tile_overlayer_lowered;
	s5 =	simm.s32 $_tile_overlayer_lowered  }
0x9b: {  	s22 =	simm.s32 $0x1BFF;
	s21 =	sshll.u32 s5, $0x1;
	s2 =	sadd.s32 s19, s18  }
0x9c: {  	s6 =	simm.s32 $0x0;
	s20 =	sshll.u32 s4, $0x1;
	s4 =	sadd.s32 s21, s2  }
0x9d: {  	[timem:s6], [sflag:s22] =	dma.local [hbm:s4], s20  }
0x9e: {  	_ =	swait.ge [sflag:s22], s20  }
0x9f: {  	s3 =	ssub.s32 $0x0, s20;
	[sflag:s22] =	ssyncset.done $0x0  }
0xa0: {  	[sflag:s22] =	ssyncadd.s32 s3;
	_ =	sdelay $0x1  }
0xa1: {  	s23 =	simm.s32 $0x1B8B  }
0xa2: {  	_ =	swait.ge [sflag:s23], $0x1  }
0xa3: {  	[sflag:s23] =	ssyncset.done $0x0  }
0xa4: {  	s25 =	simm.s32 $0x1B8E;
	s24 =	sld [smem:$0x3FFE];
	[sflag:s23] =	ssyncadd.s32 $0xFFFFFFFF  }
0xa5: {  	s26 =	simm.s32 $execute0_lowered;
	[smem:$0x3FD2] =	sst s25  }
0xa6: {  	s4 =	sshll.u32 s26, $0x1;
	_ =	strace $0x80000049;
	[dreg:$0x1] =	wrdreg $0xFFFFFFFF  }
0xa7: {  	s28 =	simm.s32 $_size_execute0_lowered;
	s2 =	sadd.s32 s2, s4;
	[dreg:$0x0] =	wrdreg $0x0  }
0xa8: {  	s4 =	sshll.u32 s28, $0x1;
	[dreg:$0x2] =	wrdreg s2  }
0xa9: {  	[dreg:$0x3] =	wrdreg s4  }
0xaa: {  	[dreg:$0x4] =	wrdreg $0xC0  }
0xab: {  	_ =	task [dreg:s6], $0x5FFFF  }
0xac: {  	[dreg:$0x1] =	wrdreg $0xFFFFFFFF  }
0xad: {  	[dreg:$0x0] =	wrdreg $0x60  }
0xae: {  	[dreg:$0x2] =	wrdreg s24  }
0xaf: {  	[dreg:$0x3] =	wrdreg $0xA  }
0xb0: {  	_ =	task.clear_ibuf [dreg:s6], $0x4FFFF;
	_ =	strace $0x90000049  }
0xb1: {  	s29 =	simm.s32 $0xA;
	_ =	strace $0x8000004B  }
0xb2: {  	_ =	swait.ge [sflag:s29], $0x1  }
0xb3: {  	[sflag:s29] =	ssyncadd.s32 $0xFFFFFFFF  }
0xb4: {  	_ =	strace $0x9000004B  }
0xb5: {  	_ =	sfence  }
0xb6: {  	s30 =	sld [smem:$0x0];
	_ =	sdelay $0x2  }
0xb7: {  	s31 =	sshll.u32 s1, $0xD;
	s1 =	sshrl.u32 s1, $0x2  }
0xb8: {  	s3 =	sand.u32 $0x4000, s31;
	s1 =	sadd.s32 s1, s30  }
0xb9: {  	s0 =	sor.u32 s3, s0;
	s1 =	sshll.u32 s1, $0x11  }
0xba: {  	s0 =	sor.u32 s1, s0  }
0xbb: {  	s0 =	sadd.s32 $0x8F2B, s0  }
0xbc: {  	[sflag:s0] =	ssyncadd.remote.s32 $0x1  }
0xbd: {  	_ =	sfence.sel $0xFFFF  }
0xbe: {  	[dreg:$0x0] =	wrdreg $0xFFFFFFFF;
	(pc) =	sbr.abs _section_cstart, $3  }
0xbf: {  	[dreg:$0x1] =	wrdreg $0xFFFFFFFF  }
0xc0: {  	_ =	task.clear_ibuf [dreg:s6], $0x2FFFF;
	_ =	strace $0x9FFFFFFF  }
0xc1: {  	(tm) =	ssettm $0x7FFFFFFF  }
tec
execute0_lowered:
.L_overlay_start_1:
0x0: {  	(tag) =	ssettag $0x1  }
0x1: {  	s7 =	rddreg [dreg:$0x0]  }
0x2: {  	s0 =	rddreg [dreg:$0x1];
	_ =	strace $0x8000004A  }
0x3: {  	s1 =	srdreg.scid;
	s4 =	simm.s32 $0x1;
	s9 =	simm.s32 $0x3  }
0x4: {  	s12 =	simm.s32 $0x0;
	s10 =	simm.s32 $0x0;
	s5 =	sshll.u32 s1, $0x4  }
.Ltmp0:
0x5: {  	s1 =	stileid.u32;
	s5 =	sand.u32 $0x10, s5;
	(pc) =	sbr.rel .LBB2_1-.Ltmp0, $4  }
0x6: {  	s2 =	sadd.s32 $0x7C600, s7;
	s3 =	sadd.s32 $0x9CA00, s7;
	s6 =	sor.u32 s1, s5  }
0x7: {  	[sflag:s4] =	ssyncpa.u1 $0x0;
	s5 =	simm.s32 $0x2;
	s6 =	sshll.u32 s6, $0x7  }
0x8: {  	s7 =	sadd.s32 $0x29CC00, s7;
	[sflag:s5] =	ssyncpa.u1 $0x0;
	s8 =	sadd.s32 $0x80, s6  }
0x9: {  	vm0 =	vmmov $0xff;
	vm1 =	vcmask $0x3F20;
	[sflag:s9] =	ssyncpa.u1 $0x0;
	s9 =	simm.s32 $0x80;
	s11 =	smov.u32 s6  }
.LBB2_9:
0xa: {  	p0 =	seq.s32 s10, $0x2  }
.Ltmp1:
0xb: {  	_ = 	snop;
	(pc) =	sbr.rel @p0 .LBB2_11-.Ltmp1, $1  }
0xc: {  	_ =	sdelay $0x3  }
.LBB2_10:
0xd: {  	s12 =	sadd.s32 $0x80, s11  }
0xe: {  	s13 =	smov.u32 s6;
	p0 =	slt.s32 s12, s8  }
0xf: {  	s13 =	smov.u32 @p0 s12  }
0x10: {  	s10 =	sadd.s32 $0x1, s10;
	s12 =	smov.u32 s11;
	s11 =	smov.u32 s13  }
.LBB2_1:
0x11: {  	p0 =	sne.s32 s10, $0x0  }
.Ltmp2:
0x12: {  	_ = 	snop;
	(pc) =	sbr.rel @!p0 .LBB2_2-.Ltmp2, $1  }
0x13: {  	_ =	sdelay $0x3  }
0x14: {  	s13 =	sand.u32 $0x1, s10  }
0x15: {  	p0 =	seq.s32 s13, $0x0  }
.Ltmp3:
0x16: {  	_ = 	snop;
	(pc) =	sbr.rel @p0 .LBB2_9-.Ltmp3, $1  }
0x17: {  	_ =	sdelay $0x3  }
0x18: {  	_ =	swait.ge [sflag:s5], $0x80  }
0x19: {  	[sflag:s5] =	ssyncset.done $0x0  }
0x1a: {  	s13 =	simm.s32 $0x0;
	[sflag:s5] =	ssyncadd.s32 $0xFFFFFF80  }
0x1b: {  	v0 =	vld.msk [tilespmem:s13+$0x80 ss:$0x1], $0xffff;
	_ =	sdelay $0x4  }
0x1c: {  	v1 =	vshll.u32 v0, $0x4  }
0x1d: {  	vm2 =	veq.s32 v0, $0x80000000;
	v0 =	vshll.u32 v0, $0x11;
	v1 =	vand.u32 $0x1FF80, v1  }
0x1e: {  	v0 =	vand.u32 $0xE0000, v0;
	v1 =	vsel vm2, $0xFFFFFF80, v1  }
0x1f: {  	v0 =	vsel vm2, $0xFFFE0000, v0;
	v2 =	vand.u32 $0xFFFFFC00, v1  }
0x20: {  	v1 =	vand.u32 $0x380, v1;
	v0 =	vadd.s32 v0, v2  }
0x21: {  	v0 =	vor.u32 v1, v0  }
0x22: {  	v0 =	vshrl.u32 v0, $0x3;
	_ =	sdelay $0x3  }
0x23: {  	s13 =	simm.s32 $0x4100  }
0x24: {  	[tilespmem:s13], [sflag:$0x1] =	stream.indirect_vreg.gather [hbm:s2], $0x80, v0, vm0, $0x38;
	[tilespmem:$0x8100] =	vst v63  }
0x25: {  	s14 =	simm.s32 $0x4500;
	s31 =	simm.s32 $0x10  }
0x26: {  	[tilespmem:s14], [sflag:$0x1] =	stream.indirect_vreg.gather [hbm:s2], $0x80, v0, vm1, $0x38;
	[tilespmem:$0x8100] =	vst v63  }
0x27: {  	s14 =	simm.s32 $0x80;
	v0 =	vld.msk [tilespmem:s31+$0x80 ss:$0x1], $0xffff  }
.LBB2_5:
0x28: {  	p0 =	sne.s32 s14, $0x1C0;
	_ =	sdelay $0x4  }
0x29: {  	v1 =	vshll.u32 v0, $0x4  }
0x2a: {  	vm2 =	veq.s32 v0, $0x80000000;
	v0 =	vshll.u32 v0, $0x11;
	v1 =	vand.u32 $0x1FF80, v1  }
0x2b: {  	v0 =	vand.u32 $0xE0000, v0;
	v1 =	vsel vm2, $0xFFFFFF80, v1  }
0x2c: {  	v0 =	vsel vm2, $0xFFFE0000, v0;
	v2 =	vand.u32 $0xFFFFFC00, v1  }
0x2d: {  	v1 =	vand.u32 $0x380, v1;
	v0 =	vadd.s32 v0, v2  }
0x2e: {  	v0 =	vor.u32 v1, v0  }
0x2f: {  	v0 =	vshrl.u32 v0, $0x3;
	_ =	sdelay $0x3  }
.Ltmp4:
0x30: {  	s13 =	sadd.s32 $0x800, s13;
	(pc) =	sbr.rel @p0 .LBB2_5-.Ltmp4, $4  }
0x31: {  	[tilespmem:s13], [sflag:$0x1] =	stream.indirect_vreg.gather [hbm:s2], $0x80, v0, vm0, $0x38;
	[tilespmem:$0x8100] =	vst v63  }
0x32: {  	s15 =	sshra.s32 s14, $0x2;
	s16 =	sadd.s32 $0x400, s13  }
0x33: {  	[tilespmem:s16], [sflag:$0x1] =	stream.indirect_vreg.gather [hbm:s2], $0x80, v0, vm1, $0x38;
	[tilespmem:$0x8100] =	vst v63  }
0x34: {  	s14 =	sadd.s32 $0x40, s14;
	v0 =	vld.msk [tilespmem:s15+$0x80 ss:$0x1], $0xffff  }
0x35: {  	_ =	sdelay $0x3  }
0x36: {  	v1 =	vshll.u32 v0, $0x4  }
0x37: {  	vm2 =	veq.s32 v0, $0x80000000;
	v63 =	vshll.u32 v0, $0x11;
	v1 =	vand.u32 $0x1FF80, v1  }
0x38: {  	v0 =	vand.u32 $0xE0000, v63;
	v1 =	vsel vm2, $0xFFFFFF80, v1  }
0x39: {  	v0 =	vsel vm2, $0xFFFE0000, v0;
	v2 =	vand.u32 $0xFFFFFC00, v1  }
0x3a: {  	v1 =	vand.u32 $0x380, v1;
	v0 =	vadd.s32 v0, v2  }
0x3b: {  	v0 =	vor.u32 v1, v0  }
0x3c: {  	v0 =	vshrl.u32 v0, $0x3;
	_ =	sdelay $0x3  }
0x3d: {  	s13 =	sadd.s32 $0x800, s13  }
0x3e: {  	[tilespmem:s13], [sflag:$0x1] =	stream.indirect_vreg.gather [hbm:s2], $0x80, v0, vm0, $0x38;
	[tilespmem:$0x8100] =	vst v63  }
0x3f: {  	s13 =	sadd.s32 $0x400, s13  }
0x40: {  	[tilespmem:s13], [sflag:$0x1] =	stream.indirect_vreg.gather [hbm:s2], $0x80, v0, vm1, $0x38;
	[tilespmem:$0x8100] =	vst v63  }
0x41: {  	s12 =	sshll.u32 s12, $0x4;
	s14 =	simm.s32 $0x80;
	_ =	swait.ge [sflag:s4], $0x4000  }
0x42: {  	s15 =	simm.s32 $0x4500;
	s12 =	sadd.s32 s12, s7;
	[sflag:s4] =	ssyncset.done $0x0  }
0x43: {  	s16 =	sadd.s32 $0x0, s12;
	s13 =	simm.s32 $0x4100;
	[sflag:s4] =	ssyncadd.s32 $0xFFFFC000  }
.LBB2_7:
0x44: {  	[hbm:s16] =	stream.linear.scatter [tilespmem:s13], [sflag:$0x3], $0x400, $0x38;
	[tilespmem:$0x8100] =	vst v63  }
0x45: {  	s16 =	smov.u32 s14;
	s13 =	smov.u32 s15;
	p0 =	sne.s32 s14, $0x780  }
.Ltmp5:
0x46: {  	s14 =	sadd.s32 $0x80, s14;
	(pc) =	sbr.rel @p0 .LBB2_7-.Ltmp5, $2  }
0x47: {  	_ =	sdelay $0x2  }
0x48: {  	s15 =	sadd.s32 $0x400, s15;
	s16 =	sadd.s32 s16, s12  }
.Ltmp6:
0x49: {  	(pc) =	sbr.rel .LBB2_9-.Ltmp6, $2  }
0x4a: {  	_ =	sdelay $0x2  }
0x4b: {  	[hbm:s16] =	stream.linear.scatter [tilespmem:s13], [sflag:$0x3], $0x400, $0x38;
	[tilespmem:$0x8100] =	vst v63  }
.LBB2_2:
.Ltmp7:
0x4c: {  	(pc) =	sbr.rel .LBB2_10-.Ltmp7, $4  }
0x4d: {  	_ = 	snop  }
0x4e: {  	s12 =	sshrl.u32 s11, $0x3  }
0x4f: {  	s13 =	sand.u32 $0x7, s11;
	s12 =	sadd.s32 s3, s12  }
0x50: {  	[tilespmem:s9], [sflag:$0x2] =	stream.linear.gather [hbm4b:s12+s13], $0x80, $0x38;
	[tilespmem:$0x8100] =	vst v63  }
.LBB2_11:
0x51: {  	s2 =	simm.s32 $0x3  }
0x52: {  	_ =	swait.ge [sflag:s2], $0x4000  }
0x53: {  	[sflag:s2] =	ssyncset.done $0x0  }
0x54: {  	[sflag:s2] =	ssyncadd.s32 $0xFFFFC000  }
0x55: {  	_ =	sfence.sel $0x180000  }
0x56: {  	s3 =	simm.s32 $0x2;
	[bflag:$0x0] =	sbarrier.arrive $0xFFFF  }
0x57: {  	[sflag:s3] =	ssyncpa.u1 $0x1  }
0x58: {  	s31 =	simm.s32 $0x1;
	[sflag:s2] =	ssyncpa.u1 $0x1  }
0x59: {  	[sflag:s31] =	ssyncpa.u1 $0x1  }
0x5a: {  	p0 =	sne.s32 s1, $0x0;
	_ =	strace $0x9000004A  }
0x5b: {  	s0 =	sadd.s32 @!p0 $0x100000, s0;
	[bflag:$0x2] =	sbarrier.arrive $0xFFFF  }
0x5c: {  	[sflag:s0] =	ssyncadd.tile.s32 @!p0 $0x1;
	_ =	shalt  }
.Lfunc_end2:
_tile_overlayer_lowered:
.L_overlay_start_2:
0x5d: {  	(tag) =	ssettag $0x2  }
0x5e: {  	s0 =	rddreg [dreg:$0x0];
	s2 =	stileid.u32  }
0x5f: {  	s1 =	rddreg [dreg:$0x1];
	p0 =	sne.s32 s2, $0x0  }
0x60: {  	s3 =	rddreg [dreg:$0x2];
	[bflag:$0x3] =	sbarrier.arrive $0xFFFF;
	s2 =	simm.s32 @!p0 $0x1C01  }
0x61: {  	[timem:s3], [sflag:s2] =	dma.local @!p0 [hbm:s0], s1  }
0x62: {  	s0 =	simm.s32 @!p0 $0x1  }
0x63: {  	_ =	swait.ge @!p0 [sflag:s0], s1  }
0x64: {  	s1 =	ssub.s32 @!p0 $0x0, s1;
	[sflag:s0] =	ssyncset.done @!p0 $0x0  }
0x65: {  	[sflag:s0] =	ssyncadd.s32 @!p0 s1  }
0x66: {  	[bflag:$0x3] =	sbarrier.arrive $0xFFFF  }
0x67: {  	_ =	shalt  }

// kernel: sparse-core-data-format-call.1.cloned.1.call-start
scs
called_computation.1_lowered:
.L_overlay_start_0:
0x0: {  	s2 =	sld [smem:$0x3FD9]  }
0x1: {  	s3 =	sld [smem:$0x3FFE];
	_ =	sdelay $0x1  }
0x2: {  	s1 =	srdreg.scid  }
0x3: {  	s0 =	sand.u32 $0x1, s1  }
0x4: {  	s18 =	sshll.u32 s0, $0xA;
	s2 =	sadd.s32 s3, s2  }
0x5: {  	s2 =	sadd.s32 s2, s18  }
0x6: {  	[smem:$0x3F7C] =	sst s2  }
0x7: {  	_ = 	snop  }
0x8: {  	(tm) =	ssettm $0x1  }
0x9: {  	s19 =	sld [smem:$0x3FFB];
	_ =	sdelay $0x3  }
0xa: {  	_ =	strace s19  }
0xb: {  	s2 =	sld [smem:$0x3FFC];
	_ =	sdelay $0x3  }
0xc: {  	_ =	strace s2  }
0xd: {  	s2 =	sld [smem:$0x3FFD];
	_ =	sdelay $0x3  }
0xe: {  	_ =	strace s2  }
0xf: {  	_ =	strace $0x8FFFFFFF  }
0x10: {  	s20 =	sld [smem:$0x3FDB];
	_ =	sdelay $0x1  }
0x11: {  	s21 =	simm.s32 $_scs_section_size  }
0x12: {  	s4 =	simm.s32 $_size__tile_overlayer_lowered;
	s5 =	simm.s32 $_tile_overlayer_lowered  }
0x13: {  	s6 =	simm.s32 $0x1BFF;
	s22 =	sshll.u32 s5, $0x1;
	s3 =	sadd.s32 s21, s20  }
0x14: {  	s23 =	simm.s32 $0x0;
	s4 =	sshll.u32 s4, $0x1;
	s5 =	sadd.s32 s22, s3  }
0x15: {  	[timem:s23], [sflag:s6] =	dma.local [hbm:s5], s4  }
0x16: {  	_ =	swait.ge [sflag:s6], s4  }
0x17: {  	s4 =	ssub.s32 $0x0, s4;
	[sflag:s6] =	ssyncset.done $0x0  }
0x18: {  	[sflag:s6] =	ssyncadd.s32 s4;
	_ =	sdelay $0x1  }
0x19: {  	s24 =	simm.s32 $0x1B8B  }
0x1a: {  	_ =	swait.ge [sflag:s24], $0x1  }
0x1b: {  	[sflag:s24] =	ssyncset.done $0x0  }
0x1c: {  	[sflag:s24] =	ssyncadd.s32 $0xFFFFFFFF  }
0x1d: {  	s4 =	sld [smem:$0x0]  }
0x1e: {  	s5 =	sand.u32 $0xFFFFFFFE, s1  }
0x1f: {  	p0 =	sne.s32 s1, s5  }
0x20: {  	s5 =	sshll.u32 @p0 s5, $0xE  }
0x21: {  	s5 =	sadd.s32 @p0 $0x11B8D, s5;
	s6 =	sshll.u32 @p0 s4, $0x11  }
0x22: {  	s5 =	sor.u32 @p0 s6, s5  }
0x23: {  	[sflag:s5] =	ssyncadd.remote.s32 @p0 $0x1;
	_ =	sdelay $0x1  }
0x24: {  	s5 =	simm.s32 @p0 $0x1B8D  }
0x25: {  	_ =	swait.eq @p0 [sflag:s5], $0x1  }
0x26: {  	[sflag:s5] =	ssyncadd.s32 @p0 $0xFFFFFFFF  }
0x27: {  	s6 =	sshll.u32 @!p0 s1, $0xE  }
0x28: {  	s6 =	sor.u32 @!p0 $0x4000, s6;
	s5 =	simm.s32 @!p0 $0x1B8D  }
0x29: {  	s4 =	sshll.u32 @!p0 s4, $0x11;
	s6 =	sadd.s32 @!p0 $0x11B8D, s6;
	_ =	swait.eq @!p0 [sflag:s5], $0x1  }
0x2a: {  	s4 =	sor.u32 @!p0 s4, s6;
	[sflag:s5] =	ssyncadd.s32 @!p0 $0xFFFFFFFF  }
0x2b: {  	s26 =	simm.s32 $0x1B8E;
	s25 =	sld [smem:$0x3FFE];
	[sflag:s4] =	ssyncadd.remote.s32 @!p0 $0x1  }
0x2c: {  	s27 =	simm.s32 $execute0_lowered;
	[smem:$0x3FD2] =	sst s26  }
0x2d: {  	s5 =	sshll.u32 s27, $0x1;
	_ =	strace $0x80000055;
	[dreg:$0x1] =	wrdreg $0xFFFFFFFF  }
0x2e: {  	s28 =	simm.s32 $_size_execute0_lowered;
	s3 =	sadd.s32 s3, s5;
	[dreg:$0x0] =	wrdreg $0x0  }
0x2f: {  	s5 =	sshll.u32 s28, $0x1;
	[dreg:$0x2] =	wrdreg s3  }
0x30: {  	[dreg:$0x3] =	wrdreg s5  }
0x31: {  	[dreg:$0x4] =	wrdreg $0xC0  }
0x32: {  	_ =	task [dreg:s23], $0x5FFFF  }
0x33: {  	[dreg:$0x1] =	wrdreg $0xFFFFFFFF  }
0x34: {  	[dreg:$0x0] =	wrdreg $0x60  }
0x35: {  	[dreg:$0x2] =	wrdreg s25  }
0x36: {  	[dreg:$0x3] =	wrdreg $0x9  }
0x37: {  	_ =	task.clear_ibuf [dreg:s23], $0x4FFFF;
	_ =	strace $0x90000055  }
0x38: {  	s29 =	simm.s32 $0x9;
	_ =	strace $0x80000057  }
0x39: {  	_ =	swait.ge [sflag:s29], $0x1  }
0x3a: {  	[sflag:s29] =	ssyncadd.s32 $0xFFFFFFFF  }
0x3b: {  	_ =	strace $0x90000057  }
0x3c: {  	_ =	sfence  }
0x3d: {  	s30 =	sld [smem:$0x0];
	_ =	sdelay $0x2  }
0x3e: {  	s31 =	sshll.u32 s1, $0xD;
	s1 =	sshrl.u32 s1, $0x2  }
0x3f: {  	s4 =	sand.u32 $0x4000, s31;
	s1 =	sadd.s32 s1, s30  }
0x40: {  	s0 =	sor.u32 s4, s0;
	s1 =	sshll.u32 s1, $0x11  }
0x41: {  	s0 =	sor.u32 s1, s0  }
0x42: {  	s0 =	sadd.s32 $0x8F2B, s0  }
0x43: {  	[sflag:s0] =	ssyncadd.remote.s32 $0x1  }
0x44: {  	_ =	sfence.sel $0xFFFF  }
0x45: {  	[dreg:$0x0] =	wrdreg $0xFFFFFFFF;
	(pc) =	sbr.abs _section_cstart, $3  }
0x46: {  	[dreg:$0x1] =	wrdreg $0xFFFFFFFF  }
0x47: {  	_ =	task.clear_ibuf [dreg:s23], $0x2FFFF;
	_ =	strace $0x9FFFFFFF  }
0x48: {  	(tm) =	ssettm $0x7FFFFFFF  }
0x49: {  	_ =	shalt  }
tec
execute0_lowered:
.L_overlay_start_1:
0x0: {  	(tag) =	ssettag $0x1  }
0x1: {  	s0 =	stileid.u32;
	s1 =	srdreg.scid  }
0x2: {  	s4 =	rddreg [dreg:$0x0];
	s7 =	simm.s32 $0x1;
	s31 =	simm.s32 $0x2  }
0x3: {  	s17 =	simm.s32 $0x0;
	s9 =	simm.s32 $0x1000;
	s18 =	simm.s32 $0x0  }
0x4: {  	s19 =	simm.s32 $0x0;
	s2 =	sshll.u32 s0, $0x4;
	s1 =	sshll.u32 s1, $0x8  }
0x5: {  	s10 =	simm.s32 $0x0;
	s11 =	simm.s32 $0x0;
	s1 =	sor.u32 s2, s1  }
0x6: {  	s12 =	simm.s32 $0x0;
	s13 =	simm.s32 $0x0;
	s2 =	sand.u32 $0x180, s1  }
0x7: {  	s16 =	simm.s32 $0x0;
	s3 =	sadd.s32 $0x9CC00, s4;
	s5 =	ssub.s32 $0x200, s2  }
0x8: {  	s4 =	sadd.s32 $0x2ACE00, s4;
	s1 =	rddreg [dreg:$0x1];
	s6 =	sand.u32 $0x180, s5  }
.Ltmp0:
0x9: {  	_ =	strace $0x80000056;
	p0 =	sne.s32 s6, $0x0;
	(pc) =	sbr.rel .LBB1_1-.Ltmp0, $4  }
0xa: {  	s14 =	smov.u32 s2;
	s8 =	sshrl.u32 s5, $0x9;
	s7 =	simm.s32 @!p0 $0x0  }
0xb: {  	s5 =	sand.u32 $0x7, s0;
	s6 =	simm.s32 $0x1;
	s7 =	sadd.s32 s7, s8  }
0xc: {  	s15 =	smov.u32 s5;
	[sflag:s6] =	ssyncpa.u1 $0x0;
	s7 =	sshll.u32 s7, $0x5  }
0xd: {  	p0 =	por $0x0, $0x0;
	[sflag:s31] =	ssyncpa.u1 $0x0;
	s8 =	sor.u32 $0x1, s7  }
.LBB1_4:
0xe: {  	s24 =	sshra.s32 s24, $0x2;
	s30 =	sshrl.u32 s11, $0x6  }
0xf: {  	p1 =	sgt.s32 s12, $0x7;
	s25 =	smov.u32 s12;
	s26 =	sshra.s32 s12, $0x1F  }
0x10: {  	s28 =	sshra.s32 s11, $0x1F;
	p2 =	sgt.s32 s10, $0x1F;
	s31 =	sshra.s32 s10, $0x1F  }
0x11: {  	s23 =	sadd.s32 s24, s23;
	s24 =	sand.u32 $0x7FFFFE, s30;
	s25 =	simm.s32 @!p1 $0x7  }
0x12: {  	s26 =	sand.u32 s26, s12;
	p1 =	sgt.s32 s11, $0x180;
	s28 =	sand.u32 s28, s11  }
0x13: {  	[tilespmem:s22+$0x2040 ss:$0x81] =	vst.msk $0xffff, v4;
	s27 =	smulhi.u32 $0x2AAAAAB, s24;
	s25 =	ssub.s32 s25, s26;
	s26 =	smov.u32 s11  }
0x14: {  	v5 =	vld [tilespmem:s21+$0xFFFFFFD0];
	[tilespmem:s22+$0x2850 ss:$0x81] =	vst.msk $0xffff, v3;
	s29 =	sadd.s32 $0xFFFFFFF9, s25;
	s26 =	simm.s32 @!p1 $0x180;
	s25 =	ssub.s32 $0x8, s25  }
0x15: {  	v58 =	vld [tilespmem:s21+$0xFFFFFFE0];
	[tilespmem:s22+$0x3060 ss:$0x81] =	vst.msk $0xffff, v2;
	p1 =	sgt.s32 s29, $0x0;
	s26 =	ssub.s32 s26, s28;
	s25 =	smul.u32 $0x60, s25  }
0x16: {  	v59 =	vld [tilespmem:s21+$0xFFFFFFF0];
	[tilespmem:s22+$0x0 ss:$0x81] =	vst.msk $0xffff, v1;
	s29 =	smov.u32 s10;
	s22 =	smul.u32 $0x60, s27;
	s28 =	sadd.s32 $0xFFFFFE80, s26  }
0x17: {  	v60 =	vld [tilespmem:s21+$0x0];
	s29 =	simm.s32 @!p2 $0x1F;
	s26 =	ssub.s32 $0x200, s26;
	p2 =	sgt.s32 s28, $0x7F  }
0x18: {  	v61 =	vld [tilespmem:s21+$0x10];
	[tilespmem:s23+$0x3870 ss:$0x81] =	vst.msk $0xffff, v0;
	s28 =	sand.u32 s31, s10;
	s25 =	simm.s32 @p1 $0x0;
	s31 =	smul.u32 $0x30000, s12  }
0x19: {  	v62 =	vld [tilespmem:s21+$0x20];
	[tilespmem:s23+$0x810 ss:$0x81] =	vst.msk $0xffff, v5;
	s22 =	ssub.s32 s24, s22;
	s27 =	ssub.s32 s29, s28;
	s26 =	simm.s32 @p2 $0x0  }
0x1a: {  	v63 =	vld [tilespmem:s21+$0xFFFFFFC0];
	[tilespmem:s23+$0x1020 ss:$0x81] =	vst.msk $0xffff, v58;
	s28 =	sshrl.u32 s11, $0x3;
	s25 =	smul.u32 s26, s25;
	s30 =	sadd.s32 $0xFFFFFFE1, s27  }
0x1b: {  	[tilespmem:s23+$0x1830 ss:$0x81] =	vst.msk $0xffff, v59;
	s21 =	ssub.s32 $0x20, s27;
	s27 =	smul.u32 $0x1800, s10;
	p1 =	sgt.s32 s30, $0x0  }
0x1c: {  	[tilespmem:s23+$0x2040 ss:$0x81] =	vst.msk $0xffff, v60;
	s29 =	sand.u32 $0x7, s11;
	s26 =	sadd.s32 s4, s31;
	s21 =	simm.s32 @p1 $0x0  }
0x1d: {  	[tilespmem:s23+$0x2850 ss:$0x81] =	vst.msk $0xffff, v61;
	s24 =	sadd.s32 s27, s26;
	s21 =	smul.u32 s21, s25;
	s25 =	sand.u32 $0xF, s28  }
0x1e: {  	[tilespmem:s23+$0x3060 ss:$0x81] =	vst.msk $0xffff, v62;
	s22 =	sshll.u32 s22, $0x6;
	s30 =	sshll.u32 s29, $0x12;
	s24 =	sadd.s32 s25, s24  }
0x1f: {  	[tilespmem:s23+$0x0 ss:$0x81] =	vst.msk $0xffff, v63;
	s31 =	sor.u32 $0x400, s30;
	s21 =	sand.u32 $0x3FFFFFE0, s21;
	s22 =	sadd.s32 s22, s24  }
0x20: {  	[hbm4b:s22+s31] =	stream.strided.scatter [tilespmem:s20], [sflag:$0x2], s21, s9, s31, $0x20;
	[tilespmem:$0x10100] =	vst v63  }
.LBB1_5:
0x21: {  	p1 =	slt.u32 s16, $0x2  }
0x22: {  	p2 =	sgt.s32 @!p1 s19, $0x7  }
0x23: {  	s20 =	smov.u32 s19;
	s21 =	sshra.s32 @!p1 s19, $0x1F;
	p2 =	por !p2, p1  }
0x24: {  	p3 =	sgt.s32 @!p1 s18, $0x180;
	s19 =	sand.u32 @!p1 s21, s19;
	s20 =	simm.s32 @p2 $0x7  }
0x25: {  	s22 =	smov.u32 s17;
	p3 =	por !p3, p1;
	s19 =	ssub.s32 @!p1 s20, s19  }
0x26: {  	s21 =	sshra.s32 @!p1 s18, $0x1F;
	s20 =	sadd.s32 @!p1 $0xFFFFFFF9, s19;
	s19 =	ssub.s32 @!p1 $0x8, s19  }
0x27: {  	p2 =	sgt.s32 @!p1 s20, $0x0;
	s20 =	smov.u32 s18;
	s18 =	sand.u32 @!p1 s21, s18  }
0x28: {  	s21 =	sshra.s32 @!p1 s17, $0x1F;
	s20 =	simm.s32 @p3 $0x180;
	p3 =	sgt.s32 @!p1 s17, $0x1F  }
0x29: {  	s19 =	smul.u32 @!p1 $0x60, s19;
	p3 =	por !p3, p1;
	s18 =	ssub.s32 @!p1 s20, s18  }
0x2a: {  	s17 =	sand.u32 @!p1 s21, s17;
	s22 =	simm.s32 @p3 $0x1F;
	s20 =	sadd.s32 @!p1 $0xFFFFFE80, s18  }
0x2b: {  	p2 =	por !p2, p1;
	s17 =	ssub.s32 @!p1 s22, s17;
	p3 =	sgt.s32 @!p1 s20, $0x7F  }
0x2c: {  	s18 =	ssub.s32 @!p1 $0x200, s18;
	s21 =	sadd.s32 @!p1 $0xFFFFFFE1, s17;
	p3 =	por !p3, p1  }
0x2d: {  	s19 =	simm.s32 @!p2 $0x0;
	s18 =	simm.s32 @!p3 $0x0;
	p3 =	sgt.s32 @!p1 s21, $0x0  }
0x2e: {  	s17 =	ssub.s32 @!p1 $0x20, s17;
	p2 =	por !p3, p1;
	s18 =	smul.u32 @!p1 s18, s19  }
0x2f: {  	s20 =	sadd.s32 $0x1, s13;
	s21 =	smov.u32 s14;
	s17 =	simm.s32 @!p2 $0x0  }
0x30: {  	p2 =	sgt.s32 s20, $0x1F;
	s17 =	smul.u32 @!p1 s17, s18;
	s18 =	sadd.s32 $0x200, s14  }
0x31: {  	s21 =	smov.u32 @p2 s18  }
0x32: {  	s23 =	smov.u32 s15;
	s18 =	sadd.s32 $0x8, s15;
	p3 =	sgt.s32 s21, $0x1FF  }
0x33: {  	p0 =	por !p0, !p0;
	s22 =	simm.s32 @!p1 $0x2;
	s23 =	smov.u32 @p3 s18  }
0x34: {  	s19 =	smov.u32 s12;
	s20 =	simm.s32 @p2 $0x0;
	p2 =	sgt.s32 s23, $0x7  }
0x35: {  	s17 =	sand.u32 @!p1 $0x3FFFFFE0, s17;
	s23 =	smov.u32 @p2 s5;
	p2 =	sne.s32 s16, s8  }
.Ltmp1:
0x36: {  	s12 =	smov.u32 s15;
	_ =	swait.ge @!p1 [sflag:s22], s17;
	(pc) =	sbr.rel @!p2 .LBB1_6-.Ltmp1, $4  }
0x37: {  	s24 =	ssub.s32 @!p1 $0x0, s17;
	s21 =	smov.u32 @p3 s2;
	s17 =	smov.u32 s10  }
0x38: {  	s18 =	smov.u32 s11;
	s10 =	smov.u32 s13;
	s11 =	smov.u32 s14  }
0x39: {  	s13 =	smov.u32 s20;
	[sflag:s22] =	ssyncset.done @!p1 $0x0;
	s14 =	smov.u32 s21  }
0x3a: {  	s16 =	sadd.s32 $0x1, s16;
	[sflag:s22] =	ssyncadd.s32 @!p1 s24;
	s15 =	smov.u32 s23  }
.LBB1_1:
0x3b: {  	p1 =	sge.u32 s16, s7;
	s31 =	sadd.s32 $0xFFFFFFFF, s16  }
0x3c: {  	s20 =	sxor.u32 @!p1 $0xFFFFFFFF, s16;
	s21 =	sshll.u32 @!p1 s15, $0x12;
	s22 =	sshll.u32 @!p1 s14, $0x9  }
0x3d: {  	s23 =	sshll.u32 @!p1 s13, $0x4;
	s20 =	sshll.u32 @!p1 s20, $0xE;
	s21 =	sadd.s32 @!p1 s3, s21  }
0x3e: {  	s23 =	sand.u32 @!p1 $0x1F0, s23;
	s20 =	sand.u32 @!p1 $0x4000, s20;
	s21 =	sadd.s32 @!p1 s22, s21  }
0x3f: {  	s22 =	simm.s32 @!p1 $0x80;
	s21 =	sadd.s32 @!p1 s23, s21;
	s23 =	simm.s32 @!p1 $0x1000  }
0x40: {  	[tilespmem:s20], [sflag:$0x1] =	stream.strided.gather @!p1 [hbm4b:s21+s22], $0x4000, s23, s22, $0x38;
	[tilespmem:$0x10100] =	vst v63  }
0x41: {  	p1 =	sge.u32 s31, s7  }
.Ltmp2:
0x42: {  	_ = 	snop;
	(pc) =	sbr.rel @p1 .LBB1_5-.Ltmp2, $1  }
0x43: {  	_ =	sdelay $0x3  }
0x44: {  	s20 =	simm.s32 $0x1  }
0x45: {  	_ =	swait.ge [sflag:s6], $0x4000;
	s20 =	simm.s32 @!p0 $0x0  }
0x46: {  	[sflag:s6] =	ssyncset.done $0x0;
	s21 =	sshll.u32 s20, $0xE  }
0x47: {  	[sflag:s6] =	ssyncadd.s32 $0xFFFFC000;
	s21 =	sor.u32 $0x40, s21  }
0x48: {  	s20 =	smul.u32 $0x10200, s20;
	v0 =	vld [tilespmem:s21+$0x30]  }
0x49: {  	v1 =	vld [tilespmem:s21+$0xFFFFFFD0]  }
0x4a: {  	s20 =	sshrl.u32 s20, $0x2;
	v5 =	vld [tilespmem:s21+$0xFFFFFFE0]  }
0x4b: {  	v6 =	vld [tilespmem:s21+$0xFFFFFFF0];
	s23 =	sor.u32 $0x8000, s20  }
0x4c: {  	s31 =	sand.u32 $0x1, s16;
	v4 =	vld [tilespmem:s21+$0x0];
	s22 =	sadd.s32 $0x0, s23  }
0x4d: {  	v3 =	vld [tilespmem:s21+$0x10];
	s20 =	smul.u32 $0x10200, s31;
	[tilespmem:s22+$0x3870 ss:$0x81] =	vst.msk $0xffff, v0  }
0x4e: {  	v2 =	vld [tilespmem:s21+$0x20];
	[tilespmem:s22+$0x810 ss:$0x81] =	vst.msk $0xffff, v1  }
0x4f: {  	s20 =	sshrl.u32 s20, $0x2;
	v1 =	vld [tilespmem:s21+$0xFFFFFFC0];
	[tilespmem:s22+$0x1020 ss:$0x81] =	vst.msk $0xffff, v5;
	s21 =	sadd.s32 $0x80, s21  }
0x50: {  	s24 =	simm.s32 $0x4;
	s25 =	simm.s32 $0x8;
	s20 =	sor.u32 $0x8000, s20;
	[tilespmem:s22+$0x1830 ss:$0x81] =	vst.msk $0xffff, v6;
	v0 =	vld [tilespmem:s21+$0x30]  }
.LBB1_3:
0x51: {  	p1 =	sne.s32 s25, $0x1FC;
	v5 =	vld [tilespmem:s21+$0xFFFFFFD0];
	[tilespmem:s22+$0x2040 ss:$0x81] =	vst.msk $0xffff, v4  }
0x52: {  	v6 =	vld [tilespmem:s21+$0xFFFFFFE0];
	[tilespmem:s22+$0x2850 ss:$0x81] =	vst.msk $0xffff, v3  }
0x53: {  	s26 =	sshra.s32 s24, $0x2;
	s24 =	smov.u32 s25;
	v7 =	vld [tilespmem:s21+$0xFFFFFFF0];
	[tilespmem:s22+$0x3060 ss:$0x81] =	vst.msk $0xffff, v2  }
.Ltmp3:
0x54: {  	v4 =	vld [tilespmem:s21+$0x0];
	[tilespmem:s22+$0x0 ss:$0x81] =	vst.msk $0xffff, v1;
	s22 =	sadd.s32 s26, s23;
	(pc) =	sbr.rel @p1 .LBB1_3-.Ltmp3, $4  }
0x55: {  	v3 =	vld [tilespmem:s21+$0x10];
	[tilespmem:s22+$0x3870 ss:$0x81] =	vst.msk $0xffff, v0  }
0x56: {  	[tilespmem:s22+$0x810 ss:$0x81] =	vst.msk $0xffff, v5;
	v2 =	vld [tilespmem:s21+$0x20]  }
0x57: {  	v1 =	vld [tilespmem:s21+$0xFFFFFFC0];
	[tilespmem:s22+$0x1020 ss:$0x81] =	vst.msk $0xffff, v6;
	s21 =	sadd.s32 $0x80, s21  }
0x58: {  	s25 =	sadd.s32 $0x4, s25;
	v0 =	vld [tilespmem:s21+$0x30];
	[tilespmem:s22+$0x1830 ss:$0x81] =	vst.msk $0xffff, v7  }
.Ltmp4:
0x59: {  	_ = 	snop;
	(pc) =	sbr.rel .LBB1_4-.Ltmp4, $1  }
0x5a: {  	_ =	sdelay $0x3  }
.LBB1_6:
0x5b: {  	_ =	sfence.sel $0x180000  }
0x5c: {  	s2 =	simm.s32 $0x1;
	[bflag:$0x0] =	sbarrier.arrive $0xFFFF  }
0x5d: {  	s31 =	simm.s32 $0x2;
	[sflag:s2] =	ssyncpa.u1 $0x1  }
0x5e: {  	[sflag:s31] =	ssyncpa.u1 $0x1  }
0x5f: {  	p0 =	sne.s32 s0, $0x0;
	_ =	strace $0x90000056  }
0x60: {  	s0 =	sadd.s32 @!p0 $0x100000, s1;
	[bflag:$0x2] =	sbarrier.arrive $0xFFFF  }
0x61: {  	[sflag:s0] =	ssyncadd.tile.s32 @!p0 $0x1;
	_ =	shalt  }
.Lfunc_end1:
_tile_overlayer_lowered:
.L_overlay_start_2:
0x62: {  	(tag) =	ssettag $0x2  }
0x63: {  	s0 =	rddreg [dreg:$0x0];
	s2 =	stileid.u32  }
0x64: {  	s1 =	rddreg [dreg:$0x1];
	p0 =	sne.s32 s2, $0x0  }
0x65: {  	s3 =	rddreg [dreg:$0x2];
	[bflag:$0x3] =	sbarrier.arrive $0xFFFF;
	s2 =	simm.s32 @!p0 $0x1C01  }
0x66: {  	[timem:s3], [sflag:s2] =	dma.local @!p0 [hbm:s0], s1  }
0x67: {  	s0 =	simm.s32 @!p0 $0x1  }
0x68: {  	_ =	swait.ge @!p0 [sflag:s0], s1  }
0x69: {  	s1 =	ssub.s32 @!p0 $0x0, s1;
	[sflag:s0] =	ssyncset.done @!p0 $0x0  }
0x6a: {  	[sflag:s0] =	ssyncadd.s32 @!p0 s1  }
0x6b: {  	[bflag:$0x3] =	sbarrier.arrive $0xFFFF  }
0x6c: {  	_ =	shalt  }

// kernel: sparse-core-data-format-call.2.cloned.1.call-start
scs
called_computation.2_lowered:
.L_overlay_start_0:
0x0: {  	s2 =	sld [smem:$0x3FD9]  }
0x1: {  	s3 =	sld [smem:$0x3FFE];
	_ =	sdelay $0x1  }
0x2: {  	s1 =	srdreg.scid  }
0x3: {  	s0 =	sand.u32 $0x1, s1  }
0x4: {  	s18 =	sshll.u32 s0, $0xA;
	s2 =	sadd.s32 s3, s2  }
0x5: {  	s2 =	sadd.s32 s2, s18  }
0x6: {  	[smem:$0x3F7C] =	sst s2  }
0x7: {  	_ = 	snop  }
0x8: {  	(tm) =	ssettm $0x1  }
0x9: {  	s19 =	sld [smem:$0x3FFB];
	_ =	sdelay $0x3  }
0xa: {  	_ =	strace s19  }
0xb: {  	s2 =	sld [smem:$0x3FFC];
	_ =	sdelay $0x3  }
0xc: {  	_ =	strace s2  }
0xd: {  	s2 =	sld [smem:$0x3FFD];
	_ =	sdelay $0x3  }
0xe: {  	_ =	strace s2  }
0xf: {  	_ =	strace $0x8FFFFFFF  }
0x10: {  	s20 =	sld [smem:$0x3FDB];
	_ =	sdelay $0x1  }
0x11: {  	s21 =	simm.s32 $_scs_section_size  }
0x12: {  	s4 =	simm.s32 $_size__tile_overlayer_lowered;
	s5 =	simm.s32 $_tile_overlayer_lowered  }
0x13: {  	s6 =	simm.s32 $0x1BFF;
	s22 =	sshll.u32 s5, $0x1;
	s3 =	sadd.s32 s21, s20  }
0x14: {  	s23 =	simm.s32 $0x0;
	s4 =	sshll.u32 s4, $0x1;
	s5 =	sadd.s32 s22, s3  }
0x15: {  	[timem:s23], [sflag:s6] =	dma.local [hbm:s5], s4  }
0x16: {  	_ =	swait.ge [sflag:s6], s4  }
0x17: {  	s4 =	ssub.s32 $0x0, s4;
	[sflag:s6] =	ssyncset.done $0x0  }
0x18: {  	[sflag:s6] =	ssyncadd.s32 s4;
	_ =	sdelay $0x1  }
0x19: {  	s24 =	simm.s32 $0x1B8B  }
0x1a: {  	_ =	swait.ge [sflag:s24], $0x1  }
0x1b: {  	[sflag:s24] =	ssyncset.done $0x0  }
0x1c: {  	[sflag:s24] =	ssyncadd.s32 $0xFFFFFFFF  }
0x1d: {  	s4 =	sld [smem:$0x0]  }
0x1e: {  	s5 =	sand.u32 $0xFFFFFFFE, s1  }
0x1f: {  	p0 =	sne.s32 s1, s5  }
0x20: {  	s5 =	sshll.u32 @p0 s5, $0xE  }
0x21: {  	s5 =	sadd.s32 @p0 $0x11B8D, s5;
	s6 =	sshll.u32 @p0 s4, $0x11  }
0x22: {  	s5 =	sor.u32 @p0 s6, s5  }
0x23: {  	[sflag:s5] =	ssyncadd.remote.s32 @p0 $0x1;
	_ =	sdelay $0x1  }
0x24: {  	s5 =	simm.s32 @p0 $0x1B8D  }
0x25: {  	_ =	swait.eq @p0 [sflag:s5], $0x1  }
0x26: {  	[sflag:s5] =	ssyncadd.s32 @p0 $0xFFFFFFFF  }
0x27: {  	s6 =	sshll.u32 @!p0 s1, $0xE  }
0x28: {  	s6 =	sor.u32 @!p0 $0x4000, s6;
	s5 =	simm.s32 @!p0 $0x1B8D  }
0x29: {  	s4 =	sshll.u32 @!p0 s4, $0x11;
	s6 =	sadd.s32 @!p0 $0x11B8D, s6;
	_ =	swait.eq @!p0 [sflag:s5], $0x1  }
0x2a: {  	s4 =	sor.u32 @!p0 s4, s6;
	[sflag:s5] =	ssyncadd.s32 @!p0 $0xFFFFFFFF  }
0x2b: {  	s26 =	simm.s32 $0x1B8E;
	s25 =	sld [smem:$0x3FFE];
	[sflag:s4] =	ssyncadd.remote.s32 @!p0 $0x1  }
0x2c: {  	s27 =	simm.s32 $execute0_lowered;
	[smem:$0x3FD2] =	sst s26  }
0x2d: {  	s5 =	sshll.u32 s27, $0x1;
	_ =	strace $0x8000004C;
	[dreg:$0x1] =	wrdreg $0xFFFFFFFF  }
0x2e: {  	s28 =	simm.s32 $_size_execute0_lowered;
	s3 =	sadd.s32 s3, s5;
	[dreg:$0x0] =	wrdreg $0x0  }
0x2f: {  	s5 =	sshll.u32 s28, $0x1;
	[dreg:$0x2] =	wrdreg s3  }
0x30: {  	[dreg:$0x3] =	wrdreg s5  }
0x31: {  	[dreg:$0x4] =	wrdreg $0xC0  }
0x32: {  	_ =	task [dreg:s23], $0x5FFFF  }
0x33: {  	[dreg:$0x1] =	wrdreg $0xFFFFFFFF  }
0x34: {  	[dreg:$0x0] =	wrdreg $0x60  }
0x35: {  	[dreg:$0x2] =	wrdreg s25  }
0x36: {  	[dreg:$0x3] =	wrdreg $0x9  }
0x37: {  	_ =	task.clear_ibuf [dreg:s23], $0x4FFFF;
	_ =	strace $0x9000004C  }
0x38: {  	s29 =	simm.s32 $0x9;
	_ =	strace $0x8000004E  }
0x39: {  	_ =	swait.ge [sflag:s29], $0x1  }
0x3a: {  	[sflag:s29] =	ssyncadd.s32 $0xFFFFFFFF  }
0x3b: {  	_ =	strace $0x9000004E  }
0x3c: {  	_ =	sfence  }
0x3d: {  	s30 =	sld [smem:$0x0];
	_ =	sdelay $0x2  }
0x3e: {  	s31 =	sshll.u32 s1, $0xD;
	s1 =	sshrl.u32 s1, $0x2  }
0x3f: {  	s4 =	sand.u32 $0x4000, s31;
	s1 =	sadd.s32 s1, s30  }
0x40: {  	s0 =	sor.u32 s4, s0;
	s1 =	sshll.u32 s1, $0x11  }
0x41: {  	s0 =	sor.u32 s1, s0  }
0x42: {  	s0 =	sadd.s32 $0x8F2B, s0  }
0x43: {  	[sflag:s0] =	ssyncadd.remote.s32 $0x1  }
0x44: {  	_ =	sfence.sel $0xFFFF  }
0x45: {  	[dreg:$0x0] =	wrdreg $0xFFFFFFFF;
	(pc) =	sbr.abs _section_cstart, $3  }
0x46: {  	[dreg:$0x1] =	wrdreg $0xFFFFFFFF  }
0x47: {  	_ =	task.clear_ibuf [dreg:s23], $0x2FFFF;
	_ =	strace $0x9FFFFFFF  }
0x48: {  	(tm) =	ssettm $0x7FFFFFFF  }
0x49: {  	_ =	shalt  }
tec
execute0_lowered:
.L_overlay_start_1:
0x0: {  	(tag) =	ssettag $0x1  }
0x1: {  	s0 =	stileid.u32;
	s1 =	srdreg.scid  }
0x2: {  	s4 =	rddreg [dreg:$0x0];
	s7 =	simm.s32 $0x1;
	s31 =	simm.s32 $0x2  }
0x3: {  	s16 =	simm.s32 $0x0;
	s2 =	sshll.u32 s0, $0x4;
	s1 =	sshll.u32 s1, $0x8  }
0x4: {  	s9 =	simm.s32 $0x2000;
	s14 =	simm.s32 $0x0;
	s1 =	sor.u32 s2, s1  }
0x5: {  	s15 =	simm.s32 $0x0;
	s10 =	simm.s32 $0x0;
	s2 =	sand.u32 $0x180, s1  }
0x6: {  	s13 =	simm.s32 $0x0;
	s3 =	sadd.s32 $0x9CC00, s4;
	s5 =	ssub.s32 $0x400, s2  }
0x7: {  	s4 =	sadd.s32 $0x2ADE00, s4;
	s1 =	rddreg [dreg:$0x1];
	s6 =	sand.u32 $0x180, s5  }
.Ltmp0:
0x8: {  	_ =	strace $0x8000004D;
	p0 =	sne.s32 s6, $0x0;
	(pc) =	sbr.rel .LBB1_1-.Ltmp0, $4  }
0x9: {  	s11 =	smov.u32 s2;
	s8 =	sshrl.u32 s5, $0x9;
	s7 =	simm.s32 @!p0 $0x0  }
0xa: {  	s5 =	sand.u32 $0x7, s0;
	s6 =	simm.s32 $0x1;
	s7 =	sadd.s32 s7, s8  }
0xb: {  	s12 =	smov.u32 s5;
	[sflag:s6] =	ssyncpa.u1 $0x0;
	s7 =	sshll.u32 s7, $0x4  }
0xc: {  	p0 =	por $0x0, $0x0;
	[sflag:s31] =	ssyncpa.u1 $0x0;
	s8 =	sor.u32 $0x1, s7  }
.LBB1_4:
0xd: {  	v5 =	vld [tilespmem:s20+$0xFFFFFFD0];
	[tilespmem:s19+$0x2040 ss:$0x81] =	vst.msk $0xffff, v1  }
0xe: {  	v58 =	vld [tilespmem:s20+$0xFFFFFFE0];
	[tilespmem:s19+$0x2850 ss:$0x81] =	vst.msk $0xffff, v2  }
0xf: {  	s21 =	sshra.s32 s21, $0x2;
	v59 =	vld [tilespmem:s20+$0xFFFFFFF0];
	[tilespmem:s19+$0x3060 ss:$0x81] =	vst.msk $0xffff, v3  }
0x10: {  	v60 =	vld [tilespmem:s20+$0x0];
	[tilespmem:s19+$0x0 ss:$0x81] =	vst.msk $0xffff, v0;
	s18 =	sadd.s32 s21, s18  }
0x11: {  	v61 =	vld [tilespmem:s20+$0x10];
	[tilespmem:s18+$0x3870 ss:$0x81] =	vst.msk $0xffff, v4  }
0x12: {  	v62 =	vld [tilespmem:s20+$0x20];
	s26 =	sshll.u32 s16, $0xA;
	s27 =	sshll.u32 s14, $0x3;
	[tilespmem:s18+$0x810 ss:$0x81] =	vst.msk $0xffff, v5  }
0x13: {  	v63 =	vld [tilespmem:s20+$0xFFFFFFC0];
	s29 =	sshll.u32 s16, $0x7;
	s30 =	sand.u32 $0x78, s14;
	s15 =	sshll.u32 s15, $0x12;
	[tilespmem:s18+$0x1020 ss:$0x81] =	vst.msk $0xffff, v58  }
0x14: {  	s19 =	sand.u32 $0x1FE000, s26;
	s28 =	sand.u32 $0x1FFC00, s27;
	s16 =	sand.u32 $0x380, s29;
	[tilespmem:s18+$0x1830 ss:$0x81] =	vst.msk $0xffff, v59  }
0x15: {  	s31 =	sand.u32 $0x7, s14;
	s19 =	sadd.s32 s28, s19;
	s16 =	sor.u32 s30, s16;
	[tilespmem:s18+$0x2040 ss:$0x81] =	vst.msk $0xffff, v60  }
0x16: {  	s15 =	sadd.s32 s4, s15;
	s19 =	sshrl.u32 s19, $0x3;
	s16 =	sshrl.u32 s16, $0x3;
	[tilespmem:s18+$0x2850 ss:$0x81] =	vst.msk $0xffff, v61  }
0x17: {  	s14 =	sshll.u32 s31, $0x12;
	s19 =	sand.u32 $0x3FF80, s19;
	s15 =	sadd.s32 s16, s15;
	[tilespmem:s18+$0x3060 ss:$0x81] =	vst.msk $0xffff, v62  }
0x18: {  	s14 =	sor.u32 $0x400, s14;
	[tilespmem:s18+$0x0 ss:$0x81] =	vst.msk $0xffff, v63;
	s15 =	sadd.s32 s19, s15  }
0x19: {  	[hbm4b:s15+s14] =	stream.strided.scatter [tilespmem:s17], [sflag:$0x2], $0x4000, s9, s14, $0x20;
	[tilespmem:$0x10100] =	vst v63  }
.LBB1_5:
0x1a: {  	s17 =	sadd.s32 $0x80, s10  }
0x1b: {  	s14 =	sadd.s32 $0x200, s11;
	s18 =	smov.u32 s11;
	p2 =	sgt.s32 s17, $0x7FF  }
0x1c: {  	s18 =	smov.u32 @p2 s14  }
0x1d: {  	s20 =	smov.u32 s12;
	s14 =	sadd.s32 $0x8, s12;
	p3 =	sgt.s32 s18, $0x3FF  }
0x1e: {  	s20 =	smov.u32 @p3 s14  }
0x1f: {  	s17 =	simm.s32 @p2 $0x0;
	p2 =	sgt.s32 s20, $0x7  }
0x20: {  	p1 =	slt.u32 s13, $0x2;
	s20 =	smov.u32 @p2 s5;
	p2 =	sne.s32 s13, s8  }
.Ltmp1:
0x21: {  	s19 =	simm.s32 @!p1 $0x2;
	(pc) =	sbr.rel @!p2 .LBB1_6-.Ltmp1, $4  }
0x22: {  	s16 =	smov.u32 s10;
	s15 =	smov.u32 s12;
	_ =	swait.ge @!p1 [sflag:s19], $0x4000  }
0x23: {  	p0 =	por !p0, !p0;
	[sflag:s19] =	ssyncset.done @!p1 $0x0;
	s10 =	smov.u32 s17  }
0x24: {  	s18 =	smov.u32 @p3 s2;
	s14 =	smov.u32 s11;
	[sflag:s19] =	ssyncadd.s32 @!p1 $0xFFFFC000  }
0x25: {  	s11 =	smov.u32 s18;
	s13 =	sadd.s32 $0x1, s13;
	s12 =	smov.u32 s20  }
.LBB1_1:
0x26: {  	p1 =	sge.u32 s13, s7;
	s31 =	sadd.s32 $0xFFFFFFFF, s13  }
0x27: {  	s17 =	sxor.u32 @!p1 $0xFFFFFFFF, s13;
	s18 =	sand.u32 @!p1 $0x78, s10;
	s19 =	sshll.u32 @!p1 s11, $0xB  }
0x28: {  	s20 =	sshll.u32 @!p1 s11, $0x7;
	s21 =	sshll.u32 @!p1 s10, $0x3;
	s17 =	sshll.u32 @!p1 s17, $0xE  }
0x29: {  	s19 =	sand.u32 @!p1 $0x1FC000, s19;
	s20 =	sand.u32 @!p1 $0x380, s20;
	s17 =	sand.u32 @!p1 $0x4000, s17  }
0x2a: {  	s19 =	sadd.s32 @!p1 s19, s21;
	s21 =	sand.u32 @!p1 $0x400, s21;
	s18 =	sor.u32 @!p1 s20, s18  }
0x2b: {  	s20 =	sshll.u32 @!p1 s12, $0x12;
	s18 =	sor.u32 @!p1 s21, s18;
	s19 =	sshrl.u32 @!p1 s19, $0x3  }
0x2c: {  	s20 =	sadd.s32 @!p1 s3, s20;
	s21 =	sand.u32 @!p1 $0x7, s10;
	s19 =	sand.u32 @!p1 $0x3FF00, s19  }
0x2d: {  	s18 =	sshrl.u32 @!p1 s18, $0x3;
	s19 =	sadd.s32 @!p1 s19, s20;
	s20 =	sshll.u32 @!p1 s21, $0x12  }
0x2e: {  	s18 =	sadd.s32 @!p1 s18, s19;
	s19 =	sor.u32 @!p1 $0x400, s20;
	s20 =	simm.s32 @!p1 $0x4000  }
0x2f: {  	[tilespmem:s17], [sflag:$0x1] =	stream.strided.gather @!p1 [hbm4b:s18+s19], $0x4000, s20, s19, $0x38;
	[tilespmem:$0x10100] =	vst v63  }
0x30: {  	p1 =	sge.u32 s31, s7  }
.Ltmp2:
0x31: {  	_ = 	snop;
	(pc) =	sbr.rel @p1 .LBB1_5-.Ltmp2, $1  }
0x32: {  	_ =	sdelay $0x3  }
0x33: {  	s17 =	simm.s32 $0x1  }
0x34: {  	_ =	swait.ge [sflag:s6], $0x4000;
	s17 =	simm.s32 @!p0 $0x0  }
0x35: {  	[sflag:s6] =	ssyncset.done $0x0;
	s18 =	sshll.u32 s17, $0xE  }
0x36: {  	[sflag:s6] =	ssyncadd.s32 $0xFFFFC000;
	s20 =	sor.u32 $0x40, s18  }
0x37: {  	s17 =	smul.u32 $0x10200, s17;
	v0 =	vld [tilespmem:s20+$0x30]  }
0x38: {  	v3 =	vld [tilespmem:s20+$0xFFFFFFD0]  }
0x39: {  	s17 =	sshrl.u32 s17, $0x2;
	v4 =	vld [tilespmem:s20+$0xFFFFFFE0]  }
0x3a: {  	v5 =	vld [tilespmem:s20+$0xFFFFFFF0];
	s18 =	sor.u32 $0x8000, s17  }
0x3b: {  	s31 =	sand.u32 $0x1, s13;
	v1 =	vld [tilespmem:s20+$0x0];
	s19 =	sadd.s32 $0x0, s18  }
0x3c: {  	v2 =	vld [tilespmem:s20+$0x10];
	s17 =	smul.u32 $0x10200, s31;
	[tilespmem:s19+$0x3870 ss:$0x81] =	vst.msk $0xffff, v0  }
0x3d: {  	[tilespmem:s19+$0x810 ss:$0x81] =	vst.msk $0xffff, v3;
	v3 =	vld [tilespmem:s20+$0x20]  }
0x3e: {  	s17 =	sshrl.u32 s17, $0x2;
	v0 =	vld [tilespmem:s20+$0xFFFFFFC0];
	[tilespmem:s19+$0x1020 ss:$0x81] =	vst.msk $0xffff, v4;
	s20 =	sadd.s32 $0x80, s20  }
0x3f: {  	s21 =	simm.s32 $0x4;
	s22 =	simm.s32 $0x8;
	s17 =	sor.u32 $0x8000, s17;
	[tilespmem:s19+$0x1830 ss:$0x81] =	vst.msk $0xffff, v5;
	v4 =	vld [tilespmem:s20+$0x30]  }
.LBB1_3:
0x40: {  	p1 =	sne.s32 s22, $0x1FC;
	v5 =	vld [tilespmem:s20+$0xFFFFFFD0];
	[tilespmem:s19+$0x2040 ss:$0x81] =	vst.msk $0xffff, v1  }
0x41: {  	v6 =	vld [tilespmem:s20+$0xFFFFFFE0];
	[tilespmem:s19+$0x2850 ss:$0x81] =	vst.msk $0xffff, v2  }
0x42: {  	s23 =	sshra.s32 s21, $0x2;
	s21 =	smov.u32 s22;
	v7 =	vld [tilespmem:s20+$0xFFFFFFF0];
	[tilespmem:s19+$0x3060 ss:$0x81] =	vst.msk $0xffff, v3  }
.Ltmp3:
0x43: {  	v1 =	vld [tilespmem:s20+$0x0];
	[tilespmem:s19+$0x0 ss:$0x81] =	vst.msk $0xffff, v0;
	s19 =	sadd.s32 s23, s18;
	(pc) =	sbr.rel @p1 .LBB1_3-.Ltmp3, $4  }
0x44: {  	v2 =	vld [tilespmem:s20+$0x10];
	[tilespmem:s19+$0x3870 ss:$0x81] =	vst.msk $0xffff, v4  }
0x45: {  	[tilespmem:s19+$0x810 ss:$0x81] =	vst.msk $0xffff, v5;
	v3 =	vld [tilespmem:s20+$0x20]  }
0x46: {  	v0 =	vld [tilespmem:s20+$0xFFFFFFC0];
	[tilespmem:s19+$0x1020 ss:$0x81] =	vst.msk $0xffff, v6;
	s20 =	sadd.s32 $0x80, s20  }
0x47: {  	s22 =	sadd.s32 $0x4, s22;
	v4 =	vld [tilespmem:s20+$0x30];
	[tilespmem:s19+$0x1830 ss:$0x81] =	vst.msk $0xffff, v7  }
.Ltmp4:
0x48: {  	_ = 	snop;
	(pc) =	sbr.rel .LBB1_4-.Ltmp4, $1  }
0x49: {  	_ =	sdelay $0x3  }
.LBB1_6:
0x4a: {  	_ =	sfence.sel $0x180000  }
0x4b: {  	s2 =	simm.s32 $0x1;
	[bflag:$0x0] =	sbarrier.arrive $0xFFFF  }
0x4c: {  	s31 =	simm.s32 $0x2;
	[sflag:s2] =	ssyncpa.u1 $0x1  }
0x4d: {  	[sflag:s31] =	ssyncpa.u1 $0x1  }
0x4e: {  	p0 =	sne.s32 s0, $0x0;
	_ =	strace $0x9000004D  }
0x4f: {  	s0 =	sadd.s32 @!p0 $0x100000, s1;
	[bflag:$0x2] =	sbarrier.arrive $0xFFFF  }
0x50: {  	[sflag:s0] =	ssyncadd.tile.s32 @!p0 $0x1;
	_ =	shalt  }
.Lfunc_end1:
_tile_overlayer_lowered:
.L_overlay_start_2:
0x51: {  	(tag) =	ssettag $0x2  }
0x52: {  	s0 =	rddreg [dreg:$0x0];
	s2 =	stileid.u32  }
0x53: {  	s1 =	rddreg [dreg:$0x1];
	p0 =	sne.s32 s2, $0x0  }
0x54: {  	s3 =	rddreg [dreg:$0x2];
	[bflag:$0x3] =	sbarrier.arrive $0xFFFF;
	s2 =	simm.s32 @!p0 $0x1C01  }
0x55: {  	[timem:s3], [sflag:s2] =	dma.local @!p0 [hbm:s0], s1  }
0x56: {  	s0 =	simm.s32 @!p0 $0x1  }
0x57: {  	_ =	swait.ge @!p0 [sflag:s0], s1  }
0x58: {  	s1 =	ssub.s32 @!p0 $0x0, s1;
	[sflag:s0] =	ssyncset.done @!p0 $0x0  }
0x59: {  	[sflag:s0] =	ssyncadd.s32 @!p0 s1  }
0x5a: {  	[bflag:$0x3] =	sbarrier.arrive $0xFFFF  }
0x5b: {  	_ =	shalt  }

// kernel: sparse-core-data-format-call.cloned.1.call-start
scs
called_computation_lowered:
.L_overlay_start_0:
0x0: {  	s2 =	sld [smem:$0x3FD9]  }
0x1: {  	s3 =	sld [smem:$0x3FFE];
	_ =	sdelay $0x1  }
0x2: {  	s1 =	srdreg.scid  }
0x3: {  	s0 =	sand.u32 $0x1, s1  }
0x4: {  	s18 =	sshll.u32 s0, $0xA;
	s2 =	sadd.s32 s3, s2  }
0x5: {  	s2 =	sadd.s32 s2, s18  }
0x6: {  	[smem:$0x3F7C] =	sst s2  }
0x7: {  	_ = 	snop  }
0x8: {  	(tm) =	ssettm $0x1  }
0x9: {  	s19 =	sld [smem:$0x3FFB];
	_ =	sdelay $0x3  }
0xa: {  	_ =	strace s19  }
0xb: {  	s2 =	sld [smem:$0x3FFC];
	_ =	sdelay $0x3  }
0xc: {  	_ =	strace s2  }
0xd: {  	s2 =	sld [smem:$0x3FFD];
	_ =	sdelay $0x3  }
0xe: {  	_ =	strace s2  }
0xf: {  	_ =	strace $0x8FFFFFFF  }
0x10: {  	s20 =	sld [smem:$0x3FDB];
	_ =	sdelay $0x1  }
0x11: {  	s21 =	simm.s32 $_scs_section_size  }
0x12: {  	s4 =	simm.s32 $_size__tile_overlayer_lowered;
	s5 =	simm.s32 $_tile_overlayer_lowered  }
0x13: {  	s6 =	simm.s32 $0x1BFF;
	s22 =	sshll.u32 s5, $0x1;
	s3 =	sadd.s32 s21, s20  }
0x14: {  	s23 =	simm.s32 $0x0;
	s4 =	sshll.u32 s4, $0x1;
	s5 =	sadd.s32 s22, s3  }
0x15: {  	[timem:s23], [sflag:s6] =	dma.local [hbm:s5], s4  }
0x16: {  	_ =	swait.ge [sflag:s6], s4  }
0x17: {  	s4 =	ssub.s32 $0x0, s4;
	[sflag:s6] =	ssyncset.done $0x0  }
0x18: {  	[sflag:s6] =	ssyncadd.s32 s4;
	_ =	sdelay $0x1  }
0x19: {  	s24 =	simm.s32 $0x1B8B  }
0x1a: {  	_ =	swait.ge [sflag:s24], $0x1  }
0x1b: {  	[sflag:s24] =	ssyncset.done $0x0  }
0x1c: {  	[sflag:s24] =	ssyncadd.s32 $0xFFFFFFFF  }
0x1d: {  	s4 =	sld [smem:$0x0]  }
0x1e: {  	s5 =	sand.u32 $0xFFFFFFFE, s1  }
0x1f: {  	p0 =	sne.s32 s1, s5  }
0x20: {  	s5 =	sshll.u32 @p0 s5, $0xE  }
0x21: {  	s5 =	sadd.s32 @p0 $0x11B8D, s5;
	s6 =	sshll.u32 @p0 s4, $0x11  }
0x22: {  	s5 =	sor.u32 @p0 s6, s5  }
0x23: {  	[sflag:s5] =	ssyncadd.remote.s32 @p0 $0x1;
	_ =	sdelay $0x1  }
0x24: {  	s5 =	simm.s32 @p0 $0x1B8D  }
0x25: {  	_ =	swait.eq @p0 [sflag:s5], $0x1  }
0x26: {  	[sflag:s5] =	ssyncadd.s32 @p0 $0xFFFFFFFF  }
0x27: {  	s6 =	sshll.u32 @!p0 s1, $0xE  }
0x28: {  	s6 =	sor.u32 @!p0 $0x4000, s6;
	s5 =	simm.s32 @!p0 $0x1B8D  }
0x29: {  	s4 =	sshll.u32 @!p0 s4, $0x11;
	s6 =	sadd.s32 @!p0 $0x11B8D, s6;
	_ =	swait.eq @!p0 [sflag:s5], $0x1  }
0x2a: {  	s4 =	sor.u32 @!p0 s4, s6;
	[sflag:s5] =	ssyncadd.s32 @!p0 $0xFFFFFFFF  }
0x2b: {  	s26 =	simm.s32 $0x1B8E;
	s25 =	sld [smem:$0x3FFE];
	[sflag:s4] =	ssyncadd.remote.s32 @!p0 $0x1  }
0x2c: {  	s27 =	simm.s32 $execute0_lowered;
	[smem:$0x3FD2] =	sst s26  }
0x2d: {  	s5 =	sshll.u32 s27, $0x1;
	_ =	strace $0x8000005B;
	[dreg:$0x1] =	wrdreg $0xFFFFFFFF  }
0x2e: {  	s28 =	simm.s32 $_size_execute0_lowered;
	s3 =	sadd.s32 s3, s5;
	[dreg:$0x0] =	wrdreg $0x0  }
0x2f: {  	s5 =	sshll.u32 s28, $0x1;
	[dreg:$0x2] =	wrdreg s3  }
0x30: {  	[dreg:$0x3] =	wrdreg s5  }
0x31: {  	[dreg:$0x4] =	wrdreg $0xC0  }
0x32: {  	_ =	task [dreg:s23], $0x5FFFF  }
0x33: {  	[dreg:$0x1] =	wrdreg $0xFFFFFFFF  }
0x34: {  	[dreg:$0x0] =	wrdreg $0x60  }
0x35: {  	[dreg:$0x2] =	wrdreg s25  }
0x36: {  	[dreg:$0x3] =	wrdreg $0x9  }
0x37: {  	_ =	task.clear_ibuf [dreg:s23], $0x4FFFF;
	_ =	strace $0x9000005B  }
0x38: {  	s29 =	simm.s32 $0x9;
	_ =	strace $0x8000005D  }
0x39: {  	_ =	swait.ge [sflag:s29], $0x1  }
0x3a: {  	[sflag:s29] =	ssyncadd.s32 $0xFFFFFFFF  }
0x3b: {  	_ =	strace $0x9000005D  }
0x3c: {  	_ =	sfence  }
0x3d: {  	s30 =	sld [smem:$0x0];
	_ =	sdelay $0x2  }
0x3e: {  	s31 =	sshll.u32 s1, $0xD;
	s1 =	sshrl.u32 s1, $0x2  }
0x3f: {  	s4 =	sand.u32 $0x4000, s31;
	s1 =	sadd.s32 s1, s30  }
0x40: {  	s0 =	sor.u32 s4, s0;
	s1 =	sshll.u32 s1, $0x11  }
0x41: {  	s0 =	sor.u32 s1, s0  }
0x42: {  	s0 =	sadd.s32 $0x8F2B, s0  }
0x43: {  	[sflag:s0] =	ssyncadd.remote.s32 $0x1  }
0x44: {  	_ =	sfence.sel $0xFFFF  }
0x45: {  	[dreg:$0x0] =	wrdreg $0xFFFFFFFF;
	(pc) =	sbr.abs _section_cstart, $3  }
0x46: {  	[dreg:$0x1] =	wrdreg $0xFFFFFFFF  }
0x47: {  	_ =	task.clear_ibuf [dreg:s23], $0x2FFFF;
	_ =	strace $0x9FFFFFFF  }
0x48: {  	(tm) =	ssettm $0x7FFFFFFF  }
0x49: {  	_ =	shalt  }
tec
execute0_lowered:
.L_overlay_start_1:
0x0: {  	(tag) =	ssettag $0x1  }
0x1: {  	s0 =	stileid.u32;
	s5 =	rddreg [dreg:$0x0]  }
0x2: {  	s3 =	srdreg.scid;
	_ =	strace $0x8000005C;
	s31 =	simm.s32 $0x2  }
0x3: {  	s20 =	simm.s32 $0x0;
	p0 =	por $0x0, $0x0;
	s22 =	simm.s32 $0x0  }
0x4: {  	s21 =	simm.s32 $0x0;
	s23 =	simm.s32 $0x0;
	s11 =	simm.s32 $0x0  }
0x5: {  	s13 =	simm.s32 $0x0;
	s14 =	simm.s32 $0x0;
	s15 =	simm.s32 $0x0  }
0x6: {  	s19 =	simm.s32 $0x0;
	s1 =	sshll.u32 s0, $0x4;
	s3 =	sand.u32 $0x1, s3  }
0x7: {  	s30 =	sadd.s32 $0x45800, s5;
	s2 =	sand.u32 $0x80, s1;
	s7 =	ssub.s32 $0x20, s3  }
0x8: {  	[dreg:$0x2] =	wrdreg s30;
	s16 =	smov.u32 s3;
	s4 =	ssub.s32 $0x100, s2  }
0x9: {  	s9 =	sshrl.u32 s7, $0x1;
	s17 =	smov.u32 s2;
	s6 =	sshrl.u32 s4, $0x7  }
.Ltmp0:
0xa: {  	s8 =	sshrl.u32 s4, $0x8;
	s6 =	sand.u32 $0x1, s6;
	(pc) =	sbr.rel .LBB1_1-.Ltmp0, $4  }
0xb: {  	s7 =	ssub.s32 s7, s9;
	s8 =	sadd.s32 s8, s6;
	s6 =	simm.s32 $0x1  }
0xc: {  	s4 =	sadd.s32 $0x2A1200, s5;
	s9 =	smul.u32 s8, s7;
	[sflag:s6] =	ssyncpa.u1 $0x0  }
0xd: {  	s7 =	sand.u32 $0x7, s0;
	s0 =	simm.s32 $0x0;
	[sflag:s31] =	ssyncpa.u1 $0x0  }
0xe: {  	s18 =	smov.u32 s7;
	s8 =	sshll.u32 s9, $0x1;
	s9 =	sshllo.u32 s9, $0x1  }
.LBB1_4:
0xf: {  	v5 =	vld [tilespmem:s25+$0xFFFFFFD0]  }
0x10: {  	v58 =	vld [tilespmem:s25+$0xFFFFFFE0]  }
0x11: {  	[tilespmem:s26+$0x2040 ss:$0x81] =	vst.msk $0xffff, v4;
	v59 =	vld [tilespmem:s25+$0xFFFFFFF0]  }
0x12: {  	s28 =	sshra.s32 s28, $0x2;
	s10 =	sshll.u32 s11, $0x8;
	[tilespmem:s26+$0x2850 ss:$0x81] =	vst.msk $0xffff, v3;
	v60 =	vld [tilespmem:s25+$0x0]  }
0x13: {  	p1 =	sgt.s32 s14, $0x7;
	s29 =	smov.u32 s14;
	s30 =	sshra.s32 s14, $0x1F;
	[tilespmem:s26+$0x3060 ss:$0x81] =	vst.msk $0xffff, v2;
	v61 =	vld [tilespmem:s25+$0x10]  }
0x14: {  	s31 =	sshll.u32 s13, $0x3;
	s5 =	sshra.s32 s13, $0x1F;
	[tilespmem:s26+$0x0 ss:$0x81] =	vst.msk $0xffff, v1;
	s26 =	sand.u32 $0x78, s13;
	v62 =	vld [tilespmem:s25+$0x20]  }
0x15: {  	v63 =	vld [tilespmem:s25+$0xFFFFFFC0];
	s25 =	smul.u32 $0x30000, s14;
	s27 =	sadd.s32 s28, s27;
	s29 =	simm.s32 @!p1 $0x7  }
0x16: {  	s30 =	sand.u32 s30, s14;
	s28 =	sand.u32 $0xFFFFF800, s10;
	s31 =	sand.u32 $0xFFFFFC00, s31  }
0x17: {  	s10 =	sshra.s32 s0, $0x1F;
	s29 =	ssub.s32 s29, s30;
	s28 =	sadd.s32 s31, s28  }
0x18: {  	s30 =	sshll.u32 s11, $0x7;
	s31 =	sand.u32 s5, s13;
	s10 =	sand.u32 s10, s0  }
0x19: {  	s5 =	sshra.s32 s11, $0x1F;
	s12 =	sadd.s32 $0xFFFFFFF9, s29;
	s1 =	sand.u32 $0x300, s30  }
0x1a: {  	s29 =	ssub.s32 $0x8, s29;
	p1 =	sgt.s32 s12, $0x0;
	s1 =	sor.u32 s1, s28  }
0x1b: {  	s28 =	smov.u32 s13;
	s29 =	simm.s32 @p1 $0x0;
	p1 =	sgt.s32 s13, $0x80  }
0x1c: {  	s12 =	smov.u32 s0;
	s28 =	simm.s32 @!p1 $0x80;
	p1 =	sgt.s32 s0, $0x1F  }
0x1d: {  	s5 =	sand.u32 s5, s11;
	s1 =	sshrl.u32 s1, $0x8;
	s12 =	simm.s32 @!p1 $0x1F  }
0x1e: {  	s28 =	ssub.s32 s28, s31;
	p1 =	sgt.s32 s11, $0x40;
	s10 =	ssub.s32 s12, s10  }
0x1f: {  	s12 =	smov.u32 s11;
	s31 =	sadd.s32 $0xFFFFFF80, s28;
	s28 =	ssub.s32 $0x100, s28  }
0x20: {  	s12 =	simm.s32 @!p1 $0x40;
	p1 =	sgt.s32 s31, $0x7F;
	s31 =	sadd.s32 $0xFFFFFFE1, s10  }
0x21: {  	[tilespmem:s27+$0x3870 ss:$0x81] =	vst.msk $0xffff, v0;
	s28 =	simm.s32 @p1 $0x0;
	p1 =	sgt.s32 s31, $0x0;
	s31 =	smulhi.u32 $0x1555556, s1  }
0x22: {  	s30 =	sand.u32 $0x80, s30;
	[tilespmem:s27+$0x810 ss:$0x81] =	vst.msk $0xffff, v5;
	s5 =	ssub.s32 s12, s5;
	s12 =	smul.u32 s29, s28  }
0x23: {  	[tilespmem:s27+$0x1020 ss:$0x81] =	vst.msk $0xffff, v58;
	s10 =	ssub.s32 $0x20, s10;
	s29 =	sor.u32 s26, s30;
	s30 =	smul.u32 $0x1800, s0  }
0x24: {  	[tilespmem:s27+$0x1830 ss:$0x81] =	vst.msk $0xffff, v59;
	s10 =	simm.s32 @p1 $0x0;
	s28 =	smul.u32 $0xC0, s31;
	s31 =	sadd.s32 $0xFFFFFFC0, s5  }
0x25: {  	[tilespmem:s27+$0x2040 ss:$0x81] =	vst.msk $0xffff, v60;
	s5 =	ssub.s32 $0xC0, s5;
	s10 =	smul.u32 s10, s12;
	p1 =	sgt.s32 s31, $0x7F  }
0x26: {  	s31 =	rddreg [dreg:$0x2];
	s5 =	simm.s32 @p1 $0x0;
	s1 =	ssub.s32 s1, s28  }
0x27: {  	s28 =	sand.u32 $0x7, s13;
	s5 =	smul.u32 s5, s10;
	s10 =	sadd.s32 s31, s25  }
0x28: {  	[tilespmem:s27+$0x2850 ss:$0x81] =	vst.msk $0xffff, v61;
	s25 =	sshrl.u32 s29, $0x3;
	s1 =	sshll.u32 s1, $0x5;
	s10 =	sadd.s32 s30, s10  }
0x29: {  	[tilespmem:s27+$0x3060 ss:$0x81] =	vst.msk $0xffff, v62;
	s29 =	sshll.u32 s28, $0x12;
	s31 =	simm.s32 $0x800;
	s10 =	sadd.s32 s25, s10  }
0x2a: {  	[tilespmem:s27+$0x0 ss:$0x81] =	vst.msk $0xffff, v63;
	s30 =	sor.u32 $0x400, s29;
	s5 =	sand.u32 $0x3FFFFFFF, s5;
	s1 =	sadd.s32 s1, s10  }
0x2b: {  	[hbm4b:s1+s30] =	stream.strided.scatter [tilespmem:s24], [sflag:$0x2], s5, s31, s30, $0x20;
	[tilespmem:$0x10100] =	vst v63  }
.LBB1_5:
0x2c: {  	p1 =	slt.u32 s19, $0x2;
	s1 =	smov.u32 s23  }
0x2d: {  	s10 =	smov.u32 s22;
	s24 =	smov.u32 s16;
	s25 =	smov.u32 s17  }
0x2e: {  	p0 =	por !p0, !p0;
	p2 =	sgt.s32 @!p1 s23, $0x7;
	s5 =	sshra.s32 @!p1 s23, $0x1F  }
0x2f: {  	s12 =	sshra.s32 @!p1 s22, $0x1F;
	p2 =	por !p2, p1;
	s5 =	sand.u32 @!p1 s5, s23  }
0x30: {  	s23 =	smov.u32 s14;
	s1 =	simm.s32 @p2 $0x7;
	p2 =	sgt.s32 @!p1 s22, $0x1F  }
0x31: {  	s14 =	smov.u32 s18;
	s1 =	ssub.s32 @!p1 s1, s5;
	p2 =	por !p2, p1  }
0x32: {  	s5 =	sadd.s32 @!p1 $0xFFFFFFF9, s1;
	s10 =	simm.s32 @p2 $0x1F;
	s1 =	ssub.s32 @!p1 $0x8, s1  }
0x33: {  	p3 =	sgt.s32 @!p1 s5, $0x0;
	s5 =	sand.u32 @!p1 s12, s22;
	s12 =	sshra.s32 @!p1 s21, $0x1F  }
0x34: {  	p2 =	por !p3, p1;
	s5 =	ssub.s32 @!p1 s10, s5;
	s12 =	sand.u32 @!p1 s12, s21  }
0x35: {  	s1 =	simm.s32 @!p2 $0x0;
	s10 =	sadd.s32 @!p1 $0xFFFFFFE1, s5;
	p2 =	sgt.s32 @!p1 s21, $0x80  }
0x36: {  	p3 =	sgt.s32 @!p1 s10, $0x0;
	p2 =	por !p2, p1;
	s10 =	smov.u32 s21  }
0x37: {  	s5 =	ssub.s32 @!p1 $0x20, s5;
	s10 =	simm.s32 @p2 $0x80;
	p2 =	sgt.s32 @!p1 s20, $0x40  }
0x38: {  	s21 =	sshra.s32 @!p1 s20, $0x1F;
	s10 =	ssub.s32 @!p1 s10, s12;
	p2 =	por !p2, p1  }
0x39: {  	s12 =	smov.u32 s20;
	s20 =	sand.u32 @!p1 s21, s20;
	s21 =	sadd.s32 @!p1 $0xFFFFFF80, s10  }
0x3a: {  	p3 =	por !p3, p1;
	s12 =	simm.s32 @p2 $0x40;
	p2 =	sgt.s32 @!p1 s21, $0x7F  }
0x3b: {  	s10 =	ssub.s32 @!p1 $0x100, s10;
	s12 =	ssub.s32 @!p1 s12, s20;
	p2 =	por !p2, p1  }
0x3c: {  	s5 =	simm.s32 @!p3 $0x0;
	s20 =	sadd.s32 @!p1 $0xFFFFFFC0, s12;
	s10 =	simm.s32 @!p2 $0x0  }
0x3d: {  	s12 =	ssub.s32 @!p1 $0xC0, s12;
	s1 =	smul.u32 @!p1 s1, s10;
	s10 =	sadd.s32 $0x80, s15  }
0x3e: {  	p2 =	sgt.s32 @!p1 s20, $0x7F;
	s20 =	sadd.s32 $0x2, s16;
	p3 =	sgt.s32 s10, $0xBF  }
0x3f: {  	p2 =	por !p2, p1;
	s1 =	smul.u32 @!p1 s5, s1;
	s24 =	smov.u32 @p3 s20  }
0x40: {  	s12 =	simm.s32 @!p2 $0x0;
	s5 =	sadd.s32 $0x100, s17;
	p2 =	sgt.s32 s24, $0x1F  }
0x41: {  	s10 =	simm.s32 @p3 $0x0;
	s1 =	smul.u32 @!p1 s12, s1;
	s25 =	smov.u32 @p2 s5  }
0x42: {  	s5 =	sadd.s32 $0x8, s18;
	s12 =	smov.u32 s18;
	p3 =	sgt.s32 s25, $0xFF  }
0x43: {  	s22 =	smov.u32 s0;
	s0 =	smov.u32 s16;
	s12 =	smov.u32 @p3 s5  }
0x44: {  	s21 =	smov.u32 s13;
	s24 =	smov.u32 @p2 s3;
	p2 =	sgt.s32 s12, $0x7  }
0x45: {  	s13 =	smov.u32 s17;
	s12 =	smov.u32 @p2 s7;
	p2 =	sne.s32 s19, s9  }
.Ltmp1:
0x46: {  	s20 =	smov.u32 s11;
	s11 =	smov.u32 s15;
	(pc) =	sbr.rel @!p2 .LBB1_6-.Ltmp1, $4  }
0x47: {  	s15 =	smov.u32 s10;
	s1 =	sand.u32 @!p1 $0x3FFFFFFF, s1;
	s5 =	simm.s32 @!p1 $0x2  }
0x48: {  	s16 =	smov.u32 s24;
	s25 =	smov.u32 @p3 s2;
	_ =	swait.ge @!p1 [sflag:s5], s1  }
0x49: {  	s1 =	ssub.s32 @!p1 $0x0, s1;
	s17 =	smov.u32 s25;
	[sflag:s5] =	ssyncset.done @!p1 $0x0  }
0x4a: {  	s19 =	sadd.s32 $0x1, s19;
	[sflag:s5] =	ssyncadd.s32 @!p1 s1;
	s18 =	smov.u32 s12  }
.LBB1_1:
0x4b: {  	p1 =	sge.u32 s19, s8;
	s31 =	sadd.s32 $0xFFFFFFFF, s19  }
0x4c: {  	s24 =	sxor.u32 @!p1 $0xFFFFFFFF, s19;
	s25 =	sand.u32 @!p1 $0x78, s15;
	s26 =	sshll.u32 @!p1 s16, $0x8  }
0x4d: {  	s27 =	sshll.u32 @!p1 s15, $0x3;
	s28 =	sshll.u32 @!p1 s16, $0x7;
	s24 =	sshll.u32 @!p1 s24, $0xE  }
0x4e: {  	s26 =	sand.u32 @!p1 $0x1800, s26;
	s27 =	sand.u32 @!p1 $0x1C00, s27;
	s24 =	sand.u32 @!p1 $0x4000, s24  }
0x4f: {  	s26 =	sadd.s32 @!p1 s26, s27;
	s27 =	sand.u32 @!p1 $0x300, s28;
	s28 =	sand.u32 @!p1 $0x80, s28  }
0x50: {  	s26 =	sor.u32 @!p1 s27, s26;
	s25 =	sor.u32 @!p1 s25, s28;
	s27 =	sshll.u32 @!p1 s18, $0x12  }
0x51: {  	s28 =	sshll.u32 @!p1 s17, $0xA;
	s26 =	sshrl.u32 @!p1 s26, $0x3;
	s27 =	sadd.s32 @!p1 s4, s27  }
0x52: {  	s25 =	sshrl.u32 @!p1 s25, $0x3;
	s27 =	sadd.s32 @!p1 s28, s27;
	s28 =	sand.u32 @!p1 $0x7, s15  }
0x53: {  	s26 =	sand.u32 @!p1 $0x3E0, s26;
	s25 =	sadd.s32 @!p1 s25, s27;
	s27 =	sshll.u32 @!p1 s28, $0x12  }
0x54: {  	s25 =	sadd.s32 @!p1 s26, s25;
	s26 =	sor.u32 @!p1 $0x80, s27;
	s27 =	simm.s32 @!p1 $0x2000  }
0x55: {  	[tilespmem:s24], [sflag:$0x1] =	stream.strided.gather @!p1 [hbm4b:s25+s26], $0x4000, s27, s26, $0x38;
	[tilespmem:$0x10100] =	vst v63  }
0x56: {  	p1 =	sge.u32 s31, s8  }
.Ltmp2:
0x57: {  	_ = 	snop;
	(pc) =	sbr.rel @p1 .LBB1_5-.Ltmp2, $1  }
0x58: {  	_ =	sdelay $0x3  }
0x59: {  	s24 =	simm.s32 $0x1  }
0x5a: {  	_ =	swait.ge [sflag:s6], $0x4000;
	s24 =	simm.s32 @!p0 $0x0  }
0x5b: {  	[sflag:s6] =	ssyncset.done $0x0;
	s25 =	sshll.u32 s24, $0xE  }
0x5c: {  	[sflag:s6] =	ssyncadd.s32 $0xFFFFC000;
	s25 =	sor.u32 $0x40, s25  }
0x5d: {  	s24 =	smul.u32 $0x10200, s24;
	v0 =	vld [tilespmem:s25+$0x30]  }
0x5e: {  	v1 =	vld [tilespmem:s25+$0xFFFFFFD0]  }
0x5f: {  	s24 =	sshrl.u32 s24, $0x2;
	v5 =	vld [tilespmem:s25+$0xFFFFFFE0]  }
0x60: {  	v6 =	vld [tilespmem:s25+$0xFFFFFFF0];
	s27 =	sor.u32 $0x8000, s24  }
0x61: {  	s31 =	sand.u32 $0x1, s19;
	v4 =	vld [tilespmem:s25+$0x0];
	s26 =	sadd.s32 $0x0, s27  }
0x62: {  	v3 =	vld [tilespmem:s25+$0x10];
	s24 =	smul.u32 $0x10200, s31;
	[tilespmem:s26+$0x3870 ss:$0x81] =	vst.msk $0xffff, v0  }
0x63: {  	v2 =	vld [tilespmem:s25+$0x20];
	[tilespmem:s26+$0x810 ss:$0x81] =	vst.msk $0xffff, v1  }
0x64: {  	s24 =	sshrl.u32 s24, $0x2;
	v1 =	vld [tilespmem:s25+$0xFFFFFFC0];
	[tilespmem:s26+$0x1020 ss:$0x81] =	vst.msk $0xffff, v5;
	s25 =	sadd.s32 $0x80, s25  }
0x65: {  	s28 =	simm.s32 $0x4;
	s29 =	simm.s32 $0x8;
	s24 =	sor.u32 $0x8000, s24;
	[tilespmem:s26+$0x1830 ss:$0x81] =	vst.msk $0xffff, v6;
	v0 =	vld [tilespmem:s25+$0x30]  }
.LBB1_3:
0x66: {  	p1 =	sne.s32 s29, $0x1FC;
	v5 =	vld [tilespmem:s25+$0xFFFFFFD0];
	[tilespmem:s26+$0x2040 ss:$0x81] =	vst.msk $0xffff, v4  }
0x67: {  	v6 =	vld [tilespmem:s25+$0xFFFFFFE0];
	[tilespmem:s26+$0x2850 ss:$0x81] =	vst.msk $0xffff, v3  }
0x68: {  	s30 =	sshra.s32 s28, $0x2;
	s28 =	smov.u32 s29;
	v7 =	vld [tilespmem:s25+$0xFFFFFFF0];
	[tilespmem:s26+$0x3060 ss:$0x81] =	vst.msk $0xffff, v2  }
.Ltmp3:
0x69: {  	v4 =	vld [tilespmem:s25+$0x0];
	[tilespmem:s26+$0x0 ss:$0x81] =	vst.msk $0xffff, v1;
	s26 =	sadd.s32 s30, s27;
	(pc) =	sbr.rel @p1 .LBB1_3-.Ltmp3, $4  }
0x6a: {  	v3 =	vld [tilespmem:s25+$0x10];
	[tilespmem:s26+$0x3870 ss:$0x81] =	vst.msk $0xffff, v0  }
0x6b: {  	[tilespmem:s26+$0x810 ss:$0x81] =	vst.msk $0xffff, v5;
	v2 =	vld [tilespmem:s25+$0x20]  }
0x6c: {  	v1 =	vld [tilespmem:s25+$0xFFFFFFC0];
	[tilespmem:s26+$0x1020 ss:$0x81] =	vst.msk $0xffff, v6;
	s25 =	sadd.s32 $0x80, s25  }
0x6d: {  	s29 =	sadd.s32 $0x4, s29;
	v0 =	vld [tilespmem:s25+$0x30];
	[tilespmem:s26+$0x1830 ss:$0x81] =	vst.msk $0xffff, v7  }
.Ltmp4:
0x6e: {  	_ = 	snop;
	(pc) =	sbr.rel .LBB1_4-.Ltmp4, $1  }
0x6f: {  	_ =	sdelay $0x3  }
.LBB1_6:
0x70: {  	_ =	sfence.sel $0x180000  }
0x71: {  	s0 =	simm.s32 $0x1;
	[bflag:$0x0] =	sbarrier.arrive $0xFFFF  }
0x72: {  	s30 =	simm.s32 $0x2;
	[sflag:s0] =	ssyncpa.u1 $0x1  }
0x73: {  	[sflag:s30] =	ssyncpa.u1 $0x1  }
0x74: {  	_ =	strace $0x9000005C  }
0x75: {  	s31 =	stileid.u32;
	[bflag:$0x2] =	sbarrier.arrive $0xFFFF  }
0x76: {  	p0 =	sne.s32 s31, $0x0;
	s0 =	rddreg [dreg:$0x1]  }
0x77: {  	s0 =	sadd.s32 @!p0 $0x100000, s0  }
0x78: {  	[sflag:s0] =	ssyncadd.tile.s32 @!p0 $0x1;
	_ =	shalt  }
.Lfunc_end1:
_tile_overlayer_lowered:
.L_overlay_start_2:
0x79: {  	(tag) =	ssettag $0x2  }
0x7a: {  	s0 =	rddreg [dreg:$0x0];
	s2 =	stileid.u32  }
0x7b: {  	s1 =	rddreg [dreg:$0x1];
	p0 =	sne.s32 s2, $0x0  }
0x7c: {  	s3 =	rddreg [dreg:$0x2];
	[bflag:$0x3] =	sbarrier.arrive $0xFFFF;
	s2 =	simm.s32 @!p0 $0x1C01  }
0x7d: {  	[timem:s3], [sflag:s2] =	dma.local @!p0 [hbm:s0], s1  }
0x7e: {  	s0 =	simm.s32 @!p0 $0x1  }
0x7f: {  	_ =	swait.ge @!p0 [sflag:s0], s1  }
0x80: {  	s1 =	ssub.s32 @!p0 $0x0, s1;
	[sflag:s0] =	ssyncset.done @!p0 $0x0  }
0x81: {  	[sflag:s0] =	ssyncadd.s32 @!p0 s1  }
0x82: {  	[bflag:$0x3] =	sbarrier.arrive $0xFFFF  }
0x83: {  	_ =	shalt  }

</sc_bundles>
